<compile_context>
chip_gen: v7x
topology: tpu7x:2x2x1
jax: 0.10.2.dev20260603
libtpu: 0.0.44.dev20260713+nightly
codegen_flags: <defaults>
</compile_context>

<pallas_src>
import functools

import jax
import jax.numpy as jnp
from jax import lax
from jax.experimental import pallas as pl
from jax.experimental.pallas import tpu as pltpu
from jax.experimental.pallas import tpu_sc as plsc

N_TOKENS = 100000
EMBED = 32
NNZ = 5000000
BATCH = 16384
X_MAX_INV = 0.01
ALPHA = 0.75

NC = 2
NS = 16
NW = NC * NS
B_PER_W = BATCH // NW
CHUNK = 128
NCH = B_PER_W // CHUNK
GROUPS = B_PER_W // 16

LN2 = 0.6931471805599453
C0 = 2.8853900817779268
C1 = 0.9617966939259756
C2 = 0.5770780163555854
C3 = 0.41219858311113243


def _log2(x):
    bits = lax.bitcast_convert_type(x, jnp.int32)
    e = jnp.right_shift(bits, 23) - 127
    mbits = jnp.bitwise_or(jnp.bitwise_and(bits, 0x007FFFFF), 0x3F800000)
    m = lax.bitcast_convert_type(mbits, jnp.float32)
    big = m >= 1.4142135
    m = jnp.where(big, m * 0.5, m)
    e = e + jnp.where(big, 1, 0)
    s = (m - 1.0) / (m + 1.0)
    s2 = s * s
    t = s * (C0 + s2 * (C1 + s2 * (C2 + s2 * C3)))
    return e.astype(jnp.float32) + t


def _glove_body(idx_hbm, rows_hbm, cols_hbm, vals_hbm, emb_hbm, embt_hbm,
                bias_hbm, biast_hbm, out_hbm,
                idx_v, rows_v, cols_v, vals_v, w_v, wt_v, b_v, bt_v,
                pbuf, accbuf, redbuf, outbuf, shared, sem):
    cid = lax.axis_index("c")
    sid = lax.axis_index("s")
    wid = cid * NS + sid

    pltpu.sync_copy(idx_hbm.at[pl.ds(wid * NCH, NCH)], idx_v)

    handles = []
    for j in range(NCH):
        handles.append(pltpu.async_copy(rows_hbm.at[idx_v.at[j]], rows_v.at[j], sem))
        handles.append(pltpu.async_copy(cols_hbm.at[idx_v.at[j]], cols_v.at[j], sem))
        handles.append(pltpu.async_copy(vals_hbm.at[idx_v.at[j]],
                                        vals_v.at[pl.ds(j * CHUNK, CHUNK)], sem))
    for h in handles:
        h.wait()

    handles = []
    for j in range(NCH):
        sl = pl.ds(j * CHUNK, CHUNK)
        handles.append(pltpu.async_copy(emb_hbm.at[rows_v.at[j]], w_v.at[sl], sem))
        handles.append(pltpu.async_copy(embt_hbm.at[cols_v.at[j]], wt_v.at[sl], sem))
        handles.append(pltpu.async_copy(bias_hbm.at[rows_v.at[j]], b_v.at[sl], sem))
        handles.append(pltpu.async_copy(biast_hbm.at[cols_v.at[j]], bt_v.at[sl], sem))
    for h in handles:
        h.wait()

    lane = lax.iota(jnp.int32, 16)
    lane16 = lane * 16

    def group(g, acc):
        b0 = g * 16
        for l in range(16):
            b = b0 + l
            p = (w_v[b, pl.ds(0, 16)] * wt_v[b, pl.ds(0, 16)]
                 + w_v[b, pl.ds(16, 16)] * wt_v[b, pl.ds(16, 16)])
            pbuf[pl.ds(l * 16, 16)] = p
        dots = plsc.load_gather(pbuf, [lane16])
        for c in range(1, 16):
            dots = dots + plsc.load_gather(pbuf, [lane16 + c])
        dots = dots + b_v[pl.ds(b0, 16)] + bt_v[pl.ds(b0, 16)]
        cval = vals_v[pl.ds(b0, 16)]
        logc = _log2(cval) * LN2
        y = jnp.minimum(cval * X_MAX_INV, 1.0)
        wgt = jnp.exp((ALPHA * LN2) * _log2(y))
        r = dots - logc
        return acc + wgt * r * r

    acc = lax.fori_loop(0, GROUPS, group, jnp.zeros((16,), jnp.float32))

    accbuf[...] = acc * 0.5
    pltpu.sync_copy(accbuf, shared.at[sid])
    plsc.subcore_barrier()

    @pl.when(sid == 0)
    def _():
        pltpu.sync_copy(shared, redbuf)
        tot = redbuf[0, :]
        for srow in range(1, NS):
            tot = tot + redbuf[srow, :]
        total = jnp.sum(tot)
        outbuf[...] = jnp.full((16,), total)
        pltpu.sync_copy(outbuf, out_hbm.at[cid])


@jax.jit
def kernel(indices, coo_rows, coo_cols, coo_vals, embedding, embedding_tilde,
           bias, bias_tilde):
    idx2d = indices.reshape(BATCH // CHUNK, CHUNK).astype(jnp.int32)
    bias_f = bias.reshape(N_TOKENS)
    biast_f = bias_tilde.reshape(N_TOKENS)

    mesh = plsc.VectorSubcoreMesh(core_axis_name="c", subcore_axis_name="s",
                                  num_cores=NC, num_subcores=NS)
    run = pl.kernel(
        _glove_body,
        out_type=jax.ShapeDtypeStruct((NC, 16), jnp.float32),
        mesh=mesh,
        compiler_params=pltpu.CompilerParams(needs_layout_passes=False,
                                             use_tc_tiling_on_sc=False),
        scratch_types=[
            pltpu.VMEM((NCH, CHUNK), jnp.int32),
            pltpu.VMEM((NCH, CHUNK), jnp.int32),
            pltpu.VMEM((NCH, CHUNK), jnp.int32),
            pltpu.VMEM((B_PER_W,), jnp.float32),
            pltpu.VMEM((B_PER_W, EMBED), jnp.float32),
            pltpu.VMEM((B_PER_W, EMBED), jnp.float32),
            pltpu.VMEM((B_PER_W,), jnp.float32),
            pltpu.VMEM((B_PER_W,), jnp.float32),
            pltpu.VMEM((256,), jnp.float32),
            pltpu.VMEM((16,), jnp.float32),
            pltpu.VMEM((NS, 16), jnp.float32),
            pltpu.VMEM((16,), jnp.float32),
            pltpu.VMEM_SHARED((NS, 16), jnp.float32),
            pltpu.SemaphoreType.DMA,
        ],
    )
    partials = run(idx2d, coo_rows, coo_cols, coo_vals, embedding,
                   embedding_tilde, bias_f, biast_f)
    return partials[0, 0] + partials[1, 0]

# --- scband reference (transcript-rebuilt; emitter-appended) ---
"""Pipeline reference for scband-glo-ve-55490977465057 (READ-ONLY COPY).

The authoritative reference and input builder live on the scoring server;
editing this copy changes nothing except your own understanding.
"""

import jax, jax.numpy as jnp
import numpy as np

N_TOKENS = 100000
EMBED = 32
NNZ = 5000000
BATCH = 16384
X_MAX = 100.0
ALPHA = 0.75


def setup_inputs(seed: int = 0):
    key = jax.random.key(seed)
    ks = jax.random.split(key, 8)
    half = 0.5 / EMBED
    coo_rows = jax.random.randint(ks[0], (NNZ,), 0, N_TOKENS)
    coo_cols = jax.random.randint(ks[1], (NNZ,), 0, N_TOKENS)
    coo_vals = jax.random.uniform(ks[2], (NNZ,), minval=0.5, maxval=500.0, dtype=jnp.float32)
    embedding = jax.random.uniform(ks[3], (N_TOKENS, EMBED), minval=-half, maxval=half, dtype=jnp.float32)
    embedding_tilde = jax.random.uniform(ks[4], (N_TOKENS, EMBED), minval=-half, maxval=half, dtype=jnp.float32)
    bias = jax.random.uniform(ks[5], (N_TOKENS, 1), minval=-half, maxval=half, dtype=jnp.float32)
    bias_tilde = jax.random.uniform(ks[6], (N_TOKENS, 1), minval=-half, maxval=half, dtype=jnp.float32)
    indices = jax.random.randint(ks[7], (BATCH,), 0, NNZ)
    return {
        "indices": indices,
        "coo_rows": coo_rows,
        "coo_cols": coo_cols,
        "coo_vals": coo_vals,
        "embedding": embedding,
        "embedding_tilde": embedding_tilde,
        "bias": bias,
        "bias_tilde": bias_tilde,
    }


def reference(indices, coo_rows, coo_cols, coo_vals, embedding, embedding_tilde, bias, bias_tilde):
    # Gather the batch's coordinates / values from the sparse COO representation
    rows = jnp.take(coo_rows, indices)
    cols = jnp.take(coo_cols, indices)
    coocs = jnp.take(coo_vals, indices)
    # Weighting function f(x) = min(x / x_max, 1)^alpha
    weights = jnp.power(jnp.minimum(coocs / X_MAX, 1.0), ALPHA)
    # Embedding lookups (nn.Embedding -> jnp.take)
    w = jnp.take(embedding, rows, axis=0)
    w_tilde = jnp.take(embedding_tilde, cols, axis=0)
    b = jnp.take(bias, rows, axis=0)
    b_tilde = jnp.take(bias_tilde, cols, axis=0)
    out = jnp.sum(w * w_tilde, axis=1, keepdims=True) + b + b_tilde  # (B, 1)
    loss = jnp.sum(weights * jnp.power(out.T - jnp.log(coocs), 2)) * 0.5
    return loss

if __name__ == "__main__":
    import jax
    _d = setup_inputs()
    print(jax.jit(kernel)(*tuple(_d.values())))

</pallas_src>

<mosaic_0001>
#map = affine_map<(d0, d1) -> (0, 0)>
#map1 = affine_map<(d0, d1) -> (0)>
module attributes {stable_mosaic.version = 14 : i64} {
  func.func @_glove_body(%arg0: i32, %arg1: i32, %arg2: memref<128x128xi32, #tpu.memory_space<hbm>>, %arg3: memref<5000000xi32, #tpu.memory_space<hbm>>, %arg4: memref<5000000xi32, #tpu.memory_space<hbm>>, %arg5: memref<5000000xf32, #tpu.memory_space<hbm>>, %arg6: memref<100000x32xf32, #tpu.memory_space<hbm>>, %arg7: memref<100000x32xf32, #tpu.memory_space<hbm>>, %arg8: memref<100000xf32, #tpu.memory_space<hbm>>, %arg9: memref<100000xf32, #tpu.memory_space<hbm>>, %arg10: memref<2x16xf32, #tpu.memory_space<hbm>>, %arg11: memref<4x128xi32, #tpu.memory_space<vmem>>, %arg12: memref<4x128xi32, #tpu.memory_space<vmem>>, %arg13: memref<4x128xi32, #tpu.memory_space<vmem>>, %arg14: memref<512xf32, #tpu.memory_space<vmem>>, %arg15: memref<512x32xf32, #tpu.memory_space<vmem>>, %arg16: memref<512x32xf32, #tpu.memory_space<vmem>>, %arg17: memref<512xf32, #tpu.memory_space<vmem>>, %arg18: memref<512xf32, #tpu.memory_space<vmem>>, %arg19: memref<256xf32, #tpu.memory_space<vmem>>, %arg20: memref<16xf32, #tpu.memory_space<vmem>>, %arg21: memref<16x16xf32, #tpu.memory_space<vmem>>, %arg22: memref<16xf32, #tpu.memory_space<vmem>>, %arg23: memref<16x16xf32, #tpu.memory_space<vmem_shared>>, %arg24: memref<!tpu.dma_semaphore, #tpu.memory_space<semaphore_mem>>) attributes {dimension_semantics = [#tpu.dimension_semantics<core_parallel>, #tpu.dimension_semantics<subcore_parallel>], iteration_bounds = array<i64: 2, 16>, scalar_prefetch = 0 : i64, scratch_operands = 14 : i64, tpu.core_type = #tpu.core_type<sc_vector_subcore>, window_params = [{transform_indices = #map}, {transform_indices = #map1}, {transform_indices = #map1}, {transform_indices = #map1}, {transform_indices = #map}, {transform_indices = #map}, {transform_indices = #map1}, {transform_indices = #map1}, {transform_indices = #map}]} {
    %mul3A = arith.constant 16 : i32
    %mul3A_0 = arith.muli %arg0, %mul3A : i32
    %add3A = arith.addi %mul3A_0, %arg1 : i32
    %mul3A_1 = arith.constant 4 : i32
    %mul3A_2 = arith.muli %add3A, %mul3A_1 : i32
    "tpu.region"() ({
      %run_scoped3A = tpu.sem_alloc : memref<!tpu.dma_semaphore, #tpu.memory_space<semaphore_mem>>
      %dma_start3A_528 = arith.constant 0 : i32
      %dma_start3A_529 = tpu.memref_slice %arg2[%mul3A_2, %dma_start3A_528] : memref<128x128xi32, #tpu.memory_space<hbm>> -> memref<4x128xi32, #tpu.memory_space<hbm>>
      %dma_start3A_530 = arith.constant 0 : i32
      %dma_start3A_531 = tpu.memref_slice %arg2[%mul3A_2, %dma_start3A_530] : memref<128x128xi32, #tpu.memory_space<hbm>> -> memref<4x128xi32, #tpu.memory_space<hbm>>
      tpu.enqueue_dma source(%dma_start3A_531 : memref<4x128xi32, #tpu.memory_space<hbm>>) target(%arg11 : memref<4x128xi32, #tpu.memory_space<vmem>>) target_semaphore(%run_scoped3A : memref<!tpu.dma_semaphore, #tpu.memory_space<semaphore_mem>>)
      %dma_wait3A_532 = arith.constant 0 : i32
      %dma_wait3A_533 = tpu.memref_slice %arg2[%mul3A_2, %dma_wait3A_532] : memref<128x128xi32, #tpu.memory_space<hbm>> -> memref<4x128xi32, #tpu.memory_space<hbm>>
      %dma_wait3A_534 = arith.constant 0 : i32
      %dma_wait3A_535 = tpu.memref_slice %arg2[%mul3A_2, %dma_wait3A_534] : memref<128x128xi32, #tpu.memory_space<hbm>> -> memref<4x128xi32, #tpu.memory_space<hbm>>
      tpu.wait_dma2 semaphore(%run_scoped3A : memref<!tpu.dma_semaphore, #tpu.memory_space<semaphore_mem>>) src(%dma_wait3A_535 : memref<4x128xi32, #tpu.memory_space<hbm>>) dst(%arg11 : memref<4x128xi32, #tpu.memory_space<vmem>>)
      tpu.yield
    }) : () -> ()
    %dma_start3A = arith.constant 0 : i32
    %dma_start3A_3 = arith.constant 0 : i32
    %dma_start3A_4 = arith.constant 0 : i32
    %dma_start3A_5 = tpu.memref_slice %arg12[%dma_start3A_3, %dma_start3A_4] : memref<4x128xi32, #tpu.memory_space<vmem>> -> memref<1x128xi32, #tpu.memory_space<vmem>>
    %dma_start3A_6 = tpu.memref_squeeze %dma_start3A_5 : memref<1x128xi32, #tpu.memory_space<vmem>> -> memref<128xi32, #tpu.memory_space<vmem>>
    %dma_start3A_7 = arith.constant 0 : i32
    %dma_start3A_8 = tpu.memref_slice %arg11[%dma_start3A, %dma_start3A_7] : memref<4x128xi32, #tpu.memory_space<vmem>> -> memref<1x128xi32, #tpu.memory_space<vmem>>
    %dma_start3A_9 = tpu.memref_squeeze %dma_start3A_8 : memref<1x128xi32, #tpu.memory_space<vmem>> -> memref<128xi32, #tpu.memory_space<vmem>>
    %dma_start3A_10 = arith.constant 0 : i32
    %dma_start3A_11 = tpu.memref_slice %arg3[%dma_start3A_10] : memref<5000000xi32, #tpu.memory_space<hbm>> -> memref<5000000xi32, #tpu.memory_space<hbm>>
    tpu.enqueue_indirect_dma source(%dma_start3A_11 : memref<5000000xi32, #tpu.memory_space<hbm>>) target(%dma_start3A_6 : memref<128xi32, #tpu.memory_space<vmem>>) offsets(%dma_start3A_9 : memref<128xi32, #tpu.memory_space<vmem>>) semaphore(%arg24 : memref<!tpu.dma_semaphore, #tpu.memory_space<semaphore_mem>>)
    %dma_start3A_12 = arith.constant 0 : i32
    %dma_start3A_13 = arith.constant 0 : i32
    %dma_start3A_14 = arith.constant 0 : i32
    %dma_start3A_15 = tpu.memref_slice %arg13[%dma_start3A_13, %dma_start3A_14] : memref<4x128xi32, #tpu.memory_space<vmem>> -> memref<1x128xi32, #tpu.memory_space<vmem>>
    %dma_start3A_16 = tpu.memref_squeeze %dma_start3A_15 : memref<1x128xi32, #tpu.memory_space<vmem>> -> memref<128xi32, #tpu.memory_space<vmem>>
    %dma_start3A_17 = arith.constant 0 : i32
    %dma_start3A_18 = tpu.memref_slice %arg11[%dma_start3A_12, %dma_start3A_17] : memref<4x128xi32, #tpu.memory_space<vmem>> -> memref<1x128xi32, #tpu.memory_space<vmem>>
    %dma_start3A_19 = tpu.memref_squeeze %dma_start3A_18 : memref<1x128xi32, #tpu.memory_space<vmem>> -> memref<128xi32, #tpu.memory_space<vmem>>
    %dma_start3A_20 = arith.constant 0 : i32
    %dma_start3A_21 = tpu.memref_slice %arg4[%dma_start3A_20] : memref<5000000xi32, #tpu.memory_space<hbm>> -> memref<5000000xi32, #tpu.memory_space<hbm>>
    tpu.enqueue_indirect_dma source(%dma_start3A_21 : memref<5000000xi32, #tpu.memory_space<hbm>>) target(%dma_start3A_16 : memref<128xi32, #tpu.memory_space<vmem>>) offsets(%dma_start3A_19 : memref<128xi32, #tpu.memory_space<vmem>>) semaphore(%arg24 : memref<!tpu.dma_semaphore, #tpu.memory_space<semaphore_mem>>)
    %dma_start3A_22 = arith.constant 0 : i32
    %dma_start3A_23 = arith.constant 0 : i32
    %dma_start3A_24 = tpu.memref_slice %arg14[%dma_start3A_23] : memref<512xf32, #tpu.memory_space<vmem>> -> memref<128xf32, #tpu.memory_space<vmem>>
    %dma_start3A_25 = arith.constant 0 : i32
    %dma_start3A_26 = tpu.memref_slice %arg11[%dma_start3A_22, %dma_start3A_25] : memref<4x128xi32, #tpu.memory_space<vmem>> -> memref<1x128xi32, #tpu.memory_space<vmem>>
    %dma_start3A_27 = tpu.memref_squeeze %dma_start3A_26 : memref<1x128xi32, #tpu.memory_space<vmem>> -> memref<128xi32, #tpu.memory_space<vmem>>
    %dma_start3A_28 = arith.constant 0 : i32
    %dma_start3A_29 = tpu.memref_slice %arg5[%dma_start3A_28] : memref<5000000xf32, #tpu.memory_space<hbm>> -> memref<5000000xf32, #tpu.memory_space<hbm>>
    tpu.enqueue_indirect_dma source(%dma_start3A_29 : memref<5000000xf32, #tpu.memory_space<hbm>>) target(%dma_start3A_24 : memref<128xf32, #tpu.memory_space<vmem>>) offsets(%dma_start3A_27 : memref<128xi32, #tpu.memory_space<vmem>>) semaphore(%arg24 : memref<!tpu.dma_semaphore, #tpu.memory_space<semaphore_mem>>)
    %dma_start3A_30 = arith.constant 1 : i32
    %dma_start3A_31 = arith.constant 1 : i32
    %dma_start3A_32 = arith.constant 0 : i32
    %dma_start3A_33 = tpu.memref_slice %arg12[%dma_start3A_31, %dma_start3A_32] : memref<4x128xi32, #tpu.memory_space<vmem>> -> memref<1x128xi32, #tpu.memory_space<vmem>>
    %dma_start3A_34 = tpu.memref_squeeze %dma_start3A_33 : memref<1x128xi32, #tpu.memory_space<vmem>> -> memref<128xi32, #tpu.memory_space<vmem>>
    %dma_start3A_35 = arith.constant 0 : i32
    %dma_start3A_36 = tpu.memref_slice %arg11[%dma_start3A_30, %dma_start3A_35] : memref<4x128xi32, #tpu.memory_space<vmem>> -> memref<1x128xi32, #tpu.memory_space<vmem>>
    %dma_start3A_37 = tpu.memref_squeeze %dma_start3A_36 : memref<1x128xi32, #tpu.memory_space<vmem>> -> memref<128xi32, #tpu.memory_space<vmem>>
    %dma_start3A_38 = arith.constant 0 : i32
    %dma_start3A_39 = tpu.memref_slice %arg3[%dma_start3A_38] : memref<5000000xi32, #tpu.memory_space<hbm>> -> memref<5000000xi32, #tpu.memory_space<hbm>>
    tpu.enqueue_indirect_dma source(%dma_start3A_39 : memref<5000000xi32, #tpu.memory_space<hbm>>) target(%dma_start3A_34 : memref<128xi32, #tpu.memory_space<vmem>>) offsets(%dma_start3A_37 : memref<128xi32, #tpu.memory_space<vmem>>) semaphore(%arg24 : memref<!tpu.dma_semaphore, #tpu.memory_space<semaphore_mem>>)
    %dma_start3A_40 = arith.constant 1 : i32
    %dma_start3A_41 = arith.constant 1 : i32
    %dma_start3A_42 = arith.constant 0 : i32
    %dma_start3A_43 = tpu.memref_slice %arg13[%dma_start3A_41, %dma_start3A_42] : memref<4x128xi32, #tpu.memory_space<vmem>> -> memref<1x128xi32, #tpu.memory_space<vmem>>
    %dma_start3A_44 = tpu.memref_squeeze %dma_start3A_43 : memref<1x128xi32, #tpu.memory_space<vmem>> -> memref<128xi32, #tpu.memory_space<vmem>>
    %dma_start3A_45 = arith.constant 0 : i32
    %dma_start3A_46 = tpu.memref_slice %arg11[%dma_start3A_40, %dma_start3A_45] : memref<4x128xi32, #tpu.memory_space<vmem>> -> memref<1x128xi32, #tpu.memory_space<vmem>>
    %dma_start3A_47 = tpu.memref_squeeze %dma_start3A_46 : memref<1x128xi32, #tpu.memory_space<vmem>> -> memref<128xi32, #tpu.memory_space<vmem>>
    %dma_start3A_48 = arith.constant 0 : i32
    %dma_start3A_49 = tpu.memref_slice %arg4[%dma_start3A_48] : memref<5000000xi32, #tpu.memory_space<hbm>> -> memref<5000000xi32, #tpu.memory_space<hbm>>
    tpu.enqueue_indirect_dma source(%dma_start3A_49 : memref<5000000xi32, #tpu.memory_space<hbm>>) target(%dma_start3A_44 : memref<128xi32, #tpu.memory_space<vmem>>) offsets(%dma_start3A_47 : memref<128xi32, #tpu.memory_space<vmem>>) semaphore(%arg24 : memref<!tpu.dma_semaphore, #tpu.memory_space<semaphore_mem>>)
    %dma_start3A_50 = arith.constant 1 : i32
    %dma_start3A_51 = arith.constant 128 : i32
    %dma_start3A_52 = tpu.memref_slice %arg14[%dma_start3A_51] : memref<512xf32, #tpu.memory_space<vmem>> -> memref<128xf32, #tpu.memory_space<vmem>>
    %dma_start3A_53 = arith.constant 0 : i32
    %dma_start3A_54 = tpu.memref_slice %arg11[%dma_start3A_50, %dma_start3A_53] : memref<4x128xi32, #tpu.memory_space<vmem>> -> memref<1x128xi32, #tpu.memory_space<vmem>>
    %dma_start3A_55 = tpu.memref_squeeze %dma_start3A_54 : memref<1x128xi32, #tpu.memory_space<vmem>> -> memref<128xi32, #tpu.memory_space<vmem>>
    %dma_start3A_56 = arith.constant 0 : i32
    %dma_start3A_57 = tpu.memref_slice %arg5[%dma_start3A_56] : memref<5000000xf32, #tpu.memory_space<hbm>> -> memref<5000000xf32, #tpu.memory_space<hbm>>
    tpu.enqueue_indirect_dma source(%dma_start3A_57 : memref<5000000xf32, #tpu.memory_space<hbm>>) target(%dma_start3A_52 : memref<128xf32, #tpu.memory_space<vmem>>) offsets(%dma_start3A_55 : memref<128xi32, #tpu.memory_space<vmem>>) semaphore(%arg24 : memref<!tpu.dma_semaphore, #tpu.memory_space<semaphore_mem>>)
    %dma_start3A_58 = arith.constant 2 : i32
    %dma_start3A_59 = arith.constant 2 : i32
    %dma_start3A_60 = arith.constant 0 : i32
    %dma_start3A_61 = tpu.memref_slice %arg12[%dma_start3A_59, %dma_start3A_60] : memref<4x128xi32, #tpu.memory_space<vmem>> -> memref<1x128xi32, #tpu.memory_space<vmem>>
    %dma_start3A_62 = tpu.memref_squeeze %dma_start3A_61 : memref<1x128xi32, #tpu.memory_space<vmem>> -> memref<128xi32, #tpu.memory_space<vmem>>
    %dma_start3A_63 = arith.constant 0 : i32
    %dma_start3A_64 = tpu.memref_slice %arg11[%dma_start3A_58, %dma_start3A_63] : memref<4x128xi32, #tpu.memory_space<vmem>> -> memref<1x128xi32, #tpu.memory_space<vmem>>
    %dma_start3A_65 = tpu.memref_squeeze %dma_start3A_64 : memref<1x128xi32, #tpu.memory_space<vmem>> -> memref<128xi32, #tpu.memory_space<vmem>>
    %dma_start3A_66 = arith.constant 0 : i32
    %dma_start3A_67 = tpu.memref_slice %arg3[%dma_start3A_66] : memref<5000000xi32, #tpu.memory_space<hbm>> -> memref<5000000xi32, #tpu.memory_space<hbm>>
    tpu.enqueue_indirect_dma source(%dma_start3A_67 : memref<5000000xi32, #tpu.memory_space<hbm>>) target(%dma_start3A_62 : memref<128xi32, #tpu.memory_space<vmem>>) offsets(%dma_start3A_65 : memref<128xi32, #tpu.memory_space<vmem>>) semaphore(%arg24 : memref<!tpu.dma_semaphore, #tpu.memory_space<semaphore_mem>>)
    %dma_start3A_68 = arith.constant 2 : i32
    %dma_start3A_69 = arith.constant 2 : i32
    %dma_start3A_70 = arith.constant 0 : i32
    %dma_start3A_71 = tpu.memref_slice %arg13[%dma_start3A_69, %dma_start3A_70] : memref<4x128xi32, #tpu.memory_space<vmem>> -> memref<1x128xi32, #tpu.memory_space<vmem>>
    %dma_start3A_72 = tpu.memref_squeeze %dma_start3A_71 : memref<1x128xi32, #tpu.memory_space<vmem>> -> memref<128xi32, #tpu.memory_space<vmem>>
    %dma_start3A_73 = arith.constant 0 : i32
    %dma_start3A_74 = tpu.memref_slice %arg11[%dma_start3A_68, %dma_start3A_73] : memref<4x128xi32, #tpu.memory_space<vmem>> -> memref<1x128xi32, #tpu.memory_space<vmem>>
    %dma_start3A_75 = tpu.memref_squeeze %dma_start3A_74 : memref<1x128xi32, #tpu.memory_space<vmem>> -> memref<128xi32, #tpu.memory_space<vmem>>
    %dma_start3A_76 = arith.constant 0 : i32
    %dma_start3A_77 = tpu.memref_slice %arg4[%dma_start3A_76] : memref<5000000xi32, #tpu.memory_space<hbm>> -> memref<5000000xi32, #tpu.memory_space<hbm>>
    tpu.enqueue_indirect_dma source(%dma_start3A_77 : memref<5000000xi32, #tpu.memory_space<hbm>>) target(%dma_start3A_72 : memref<128xi32, #tpu.memory_space<vmem>>) offsets(%dma_start3A_75 : memref<128xi32, #tpu.memory_space<vmem>>) semaphore(%arg24 : memref<!tpu.dma_semaphore, #tpu.memory_space<semaphore_mem>>)
    %dma_start3A_78 = arith.constant 2 : i32
    %dma_start3A_79 = arith.constant 256 : i32
    %dma_start3A_80 = tpu.memref_slice %arg14[%dma_start3A_79] : memref<512xf32, #tpu.memory_space<vmem>> -> memref<128xf32, #tpu.memory_space<vmem>>
    %dma_start3A_81 = arith.constant 0 : i32
    %dma_start3A_82 = tpu.memref_slice %arg11[%dma_start3A_78, %dma_start3A_81] : memref<4x128xi32, #tpu.memory_space<vmem>> -> memref<1x128xi32, #tpu.memory_space<vmem>>
    %dma_start3A_83 = tpu.memref_squeeze %dma_start3A_82 : memref<1x128xi32, #tpu.memory_space<vmem>> -> memref<128xi32, #tpu.memory_space<vmem>>
    %dma_start3A_84 = arith.constant 0 : i32
    %dma_start3A_85 = tpu.memref_slice %arg5[%dma_start3A_84] : memref<5000000xf32, #tpu.memory_space<hbm>> -> memref<5000000xf32, #tpu.memory_space<hbm>>
    tpu.enqueue_indirect_dma source(%dma_start3A_85 : memref<5000000xf32, #tpu.memory_space<hbm>>) target(%dma_start3A_80 : memref<128xf32, #tpu.memory_space<vmem>>) offsets(%dma_start3A_83 : memref<128xi32, #tpu.memory_space<vmem>>) semaphore(%arg24 : memref<!tpu.dma_semaphore, #tpu.memory_space<semaphore_mem>>)
    %dma_start3A_86 = arith.constant 3 : i32
    %dma_start3A_87 = arith.constant 3 : i32
    %dma_start3A_88 = arith.constant 0 : i32
    %dma_start3A_89 = tpu.memref_slice %arg12[%dma_start3A_87, %dma_start3A_88] : memref<4x128xi32, #tpu.memory_space<vmem>> -> memref<1x128xi32, #tpu.memory_space<vmem>>
    %dma_start3A_90 = tpu.memref_squeeze %dma_start3A_89 : memref<1x128xi32, #tpu.memory_space<vmem>> -> memref<128xi32, #tpu.memory_space<vmem>>
    %dma_start3A_91 = arith.constant 0 : i32
    %dma_start3A_92 = tpu.memref_slice %arg11[%dma_start3A_86, %dma_start3A_91] : memref<4x128xi32, #tpu.memory_space<vmem>> -> memref<1x128xi32, #tpu.memory_space<vmem>>
    %dma_start3A_93 = tpu.memref_squeeze %dma_start3A_92 : memref<1x128xi32, #tpu.memory_space<vmem>> -> memref<128xi32, #tpu.memory_space<vmem>>
    %dma_start3A_94 = arith.constant 0 : i32
    %dma_start3A_95 = tpu.memref_slice %arg3[%dma_start3A_94] : memref<5000000xi32, #tpu.memory_space<hbm>> -> memref<5000000xi32, #tpu.memory_space<hbm>>
    tpu.enqueue_indirect_dma source(%dma_start3A_95 : memref<5000000xi32, #tpu.memory_space<hbm>>) target(%dma_start3A_90 : memref<128xi32, #tpu.memory_space<vmem>>) offsets(%dma_start3A_93 : memref<128xi32, #tpu.memory_space<vmem>>) semaphore(%arg24 : memref<!tpu.dma_semaphore, #tpu.memory_space<semaphore_mem>>)
    %dma_start3A_96 = arith.constant 3 : i32
    %dma_start3A_97 = arith.constant 3 : i32
    %dma_start3A_98 = arith.constant 0 : i32
    %dma_start3A_99 = tpu.memref_slice %arg13[%dma_start3A_97, %dma_start3A_98] : memref<4x128xi32, #tpu.memory_space<vmem>> -> memref<1x128xi32, #tpu.memory_space<vmem>>
    %dma_start3A_100 = tpu.memref_squeeze %dma_start3A_99 : memref<1x128xi32, #tpu.memory_space<vmem>> -> memref<128xi32, #tpu.memory_space<vmem>>
    %dma_start3A_101 = arith.constant 0 : i32
    %dma_start3A_102 = tpu.memref_slice %arg11[%dma_start3A_96, %dma_start3A_101] : memref<4x128xi32, #tpu.memory_space<vmem>> -> memref<1x128xi32, #tpu.memory_space<vmem>>
    %dma_start3A_103 = tpu.memref_squeeze %dma_start3A_102 : memref<1x128xi32, #tpu.memory_space<vmem>> -> memref<128xi32, #tpu.memory_space<vmem>>
    %dma_start3A_104 = arith.constant 0 : i32
    %dma_start3A_105 = tpu.memref_slice %arg4[%dma_start3A_104] : memref<5000000xi32, #tpu.memory_space<hbm>> -> memref<5000000xi32, #tpu.memory_space<hbm>>
    tpu.enqueue_indirect_dma source(%dma_start3A_105 : memref<5000000xi32, #tpu.memory_space<hbm>>) target(%dma_start3A_100 : memref<128xi32, #tpu.memory_space<vmem>>) offsets(%dma_start3A_103 : memref<128xi32, #tpu.memory_space<vmem>>) semaphore(%arg24 : memref<!tpu.dma_semaphore, #tpu.memory_space<semaphore_mem>>)
    %dma_start3A_106 = arith.constant 3 : i32
    %dma_start3A_107 = arith.constant 384 : i32
    %dma_start3A_108 = tpu.memref_slice %arg14[%dma_start3A_107] : memref<512xf32, #tpu.memory_space<vmem>> -> memref<128xf32, #tpu.memory_space<vmem>>
    %dma_start3A_109 = arith.constant 0 : i32
    %dma_start3A_110 = tpu.memref_slice %arg11[%dma_start3A_106, %dma_start3A_109] : memref<4x128xi32, #tpu.memory_space<vmem>> -> memref<1x128xi32, #tpu.memory_space<vmem>>
    %dma_start3A_111 = tpu.memref_squeeze %dma_start3A_110 : memref<1x128xi32, #tpu.memory_space<vmem>> -> memref<128xi32, #tpu.memory_space<vmem>>
    %dma_start3A_112 = arith.constant 0 : i32
    %dma_start3A_113 = tpu.memref_slice %arg5[%dma_start3A_112] : memref<5000000xf32, #tpu.memory_space<hbm>> -> memref<5000000xf32, #tpu.memory_space<hbm>>
    tpu.enqueue_indirect_dma source(%dma_start3A_113 : memref<5000000xf32, #tpu.memory_space<hbm>>) target(%dma_start3A_108 : memref<128xf32, #tpu.memory_space<vmem>>) offsets(%dma_start3A_111 : memref<128xi32, #tpu.memory_space<vmem>>) semaphore(%arg24 : memref<!tpu.dma_semaphore, #tpu.memory_space<semaphore_mem>>)
    %dma_wait3A = arith.constant 0 : i32
    %dma_wait3A_114 = arith.constant 0 : i32
    %dma_wait3A_115 = arith.constant 0 : i32
    %dma_wait3A_116 = tpu.memref_slice %arg12[%dma_wait3A_114, %dma_wait3A_115] : memref<4x128xi32, #tpu.memory_space<vmem>> -> memref<1x128xi32, #tpu.memory_space<vmem>>
    %dma_wait3A_117 = tpu.memref_squeeze %dma_wait3A_116 : memref<1x128xi32, #tpu.memory_space<vmem>> -> memref<128xi32, #tpu.memory_space<vmem>>
    %dma_wait3A_118 = arith.constant 0 : i32
    %dma_wait3A_119 = tpu.memref_slice %arg11[%dma_wait3A, %dma_wait3A_118] : memref<4x128xi32, #tpu.memory_space<vmem>> -> memref<1x128xi32, #tpu.memory_space<vmem>>
    %dma_wait3A_120 = tpu.memref_squeeze %dma_wait3A_119 : memref<1x128xi32, #tpu.memory_space<vmem>> -> memref<128xi32, #tpu.memory_space<vmem>>
    %dma_wait3A_121 = arith.constant 0 : i32
    %dma_wait3A_122 = tpu.memref_slice %arg3[%dma_wait3A_121] : memref<5000000xi32, #tpu.memory_space<hbm>> -> memref<5000000xi32, #tpu.memory_space<hbm>>
    tpu.wait_indirect_dma semaphore(%arg24 : memref<!tpu.dma_semaphore, #tpu.memory_space<semaphore_mem>>) src(%dma_wait3A_122 : memref<5000000xi32, #tpu.memory_space<hbm>>) dst(%dma_wait3A_117 : memref<128xi32, #tpu.memory_space<vmem>>)
    %dma_wait3A_123 = arith.constant 0 : i32
    %dma_wait3A_124 = arith.constant 0 : i32
    %dma_wait3A_125 = arith.constant 0 : i32
    %dma_wait3A_126 = tpu.memref_slice %arg13[%dma_wait3A_124, %dma_wait3A_125] : memref<4x128xi32, #tpu.memory_space<vmem>> -> memref<1x128xi32, #tpu.memory_space<vmem>>
    %dma_wait3A_127 = tpu.memref_squeeze %dma_wait3A_126 : memref<1x128xi32, #tpu.memory_space<vmem>> -> memref<128xi32, #tpu.memory_space<vmem>>
    %dma_wait3A_128 = arith.constant 0 : i32
    %dma_wait3A_129 = tpu.memref_slice %arg11[%dma_wait3A_123, %dma_wait3A_128] : memref<4x128xi32, #tpu.memory_space<vmem>> -> memref<1x128xi32, #tpu.memory_space<vmem>>
    %dma_wait3A_130 = tpu.memref_squeeze %dma_wait3A_129 : memref<1x128xi32, #tpu.memory_space<vmem>> -> memref<128xi32, #tpu.memory_space<vmem>>
    %dma_wait3A_131 = arith.constant 0 : i32
    %dma_wait3A_132 = tpu.memref_slice %arg4[%dma_wait3A_131] : memref<5000000xi32, #tpu.memory_space<hbm>> -> memref<5000000xi32, #tpu.memory_space<hbm>>
    tpu.wait_indirect_dma semaphore(%arg24 : memref<!tpu.dma_semaphore, #tpu.memory_space<semaphore_mem>>) src(%dma_wait3A_132 : memref<5000000xi32, #tpu.memory_space<hbm>>) dst(%dma_wait3A_127 : memref<128xi32, #tpu.memory_space<vmem>>)
    %dma_wait3A_133 = arith.constant 0 : i32
    %dma_wait3A_134 = arith.constant 0 : i32
    %dma_wait3A_135 = tpu.memref_slice %arg14[%dma_wait3A_134] : memref<512xf32, #tpu.memory_space<vmem>> -> memref<128xf32, #tpu.memory_space<vmem>>
    %dma_wait3A_136 = arith.constant 0 : i32
    %dma_wait3A_137 = tpu.memref_slice %arg11[%dma_wait3A_133, %dma_wait3A_136] : memref<4x128xi32, #tpu.memory_space<vmem>> -> memref<1x128xi32, #tpu.memory_space<vmem>>
    %dma_wait3A_138 = tpu.memref_squeeze %dma_wait3A_137 : memref<1x128xi32, #tpu.memory_space<vmem>> -> memref<128xi32, #tpu.memory_space<vmem>>
    %dma_wait3A_139 = arith.constant 0 : i32
    %dma_wait3A_140 = tpu.memref_slice %arg5[%dma_wait3A_139] : memref<5000000xf32, #tpu.memory_space<hbm>> -> memref<5000000xf32, #tpu.memory_space<hbm>>
    tpu.wait_indirect_dma semaphore(%arg24 : memref<!tpu.dma_semaphore, #tpu.memory_space<semaphore_mem>>) src(%dma_wait3A_140 : memref<5000000xf32, #tpu.memory_space<hbm>>) dst(%dma_wait3A_135 : memref<128xf32, #tpu.memory_space<vmem>>)
    %dma_wait3A_141 = arith.constant 1 : i32
    %dma_wait3A_142 = arith.constant 1 : i32
    %dma_wait3A_143 = arith.constant 0 : i32
    %dma_wait3A_144 = tpu.memref_slice %arg12[%dma_wait3A_142, %dma_wait3A_143] : memref<4x128xi32, #tpu.memory_space<vmem>> -> memref<1x128xi32, #tpu.memory_space<vmem>>
    %dma_wait3A_145 = tpu.memref_squeeze %dma_wait3A_144 : memref<1x128xi32, #tpu.memory_space<vmem>> -> memref<128xi32, #tpu.memory_space<vmem>>
    %dma_wait3A_146 = arith.constant 0 : i32
    %dma_wait3A_147 = tpu.memref_slice %arg11[%dma_wait3A_141, %dma_wait3A_146] : memref<4x128xi32, #tpu.memory_space<vmem>> -> memref<1x128xi32, #tpu.memory_space<vmem>>
    %dma_wait3A_148 = tpu.memref_squeeze %dma_wait3A_147 : memref<1x128xi32, #tpu.memory_space<vmem>> -> memref<128xi32, #tpu.memory_space<vmem>>
    %dma_wait3A_149 = arith.constant 0 : i32
    %dma_wait3A_150 = tpu.memref_slice %arg3[%dma_wait3A_149] : memref<5000000xi32, #tpu.memory_space<hbm>> -> memref<5000000xi32, #tpu.memory_space<hbm>>
    tpu.wait_indirect_dma semaphore(%arg24 : memref<!tpu.dma_semaphore, #tpu.memory_space<semaphore_mem>>) src(%dma_wait3A_150 : memref<5000000xi32, #tpu.memory_space<hbm>>) dst(%dma_wait3A_145 : memref<128xi32, #tpu.memory_space<vmem>>)
    %dma_wait3A_151 = arith.constant 1 : i32
    %dma_wait3A_152 = arith.constant 1 : i32
    %dma_wait3A_153 = arith.constant 0 : i32
    %dma_wait3A_154 = tpu.memref_slice %arg13[%dma_wait3A_152, %dma_wait3A_153] : memref<4x128xi32, #tpu.memory_space<vmem>> -> memref<1x128xi32, #tpu.memory_space<vmem>>
    %dma_wait3A_155 = tpu.memref_squeeze %dma_wait3A_154 : memref<1x128xi32, #tpu.memory_space<vmem>> -> memref<128xi32, #tpu.memory_space<vmem>>
    %dma_wait3A_156 = arith.constant 0 : i32
    %dma_wait3A_157 = tpu.memref_slice %arg11[%dma_wait3A_151, %dma_wait3A_156] : memref<4x128xi32, #tpu.memory_space<vmem>> -> memref<1x128xi32, #tpu.memory_space<vmem>>
    %dma_wait3A_158 = tpu.memref_squeeze %dma_wait3A_157 : memref<1x128xi32, #tpu.memory_space<vmem>> -> memref<128xi32, #tpu.memory_space<vmem>>
    %dma_wait3A_159 = arith.constant 0 : i32
    %dma_wait3A_160 = tpu.memref_slice %arg4[%dma_wait3A_159] : memref<5000000xi32, #tpu.memory_space<hbm>> -> memref<5000000xi32, #tpu.memory_space<hbm>>
    tpu.wait_indirect_dma semaphore(%arg24 : memref<!tpu.dma_semaphore, #tpu.memory_space<semaphore_mem>>) src(%dma_wait3A_160 : memref<5000000xi32, #tpu.memory_space<hbm>>) dst(%dma_wait3A_155 : memref<128xi32, #tpu.memory_space<vmem>>)
    %dma_wait3A_161 = arith.constant 1 : i32
    %dma_wait3A_162 = arith.constant 128 : i32
    %dma_wait3A_163 = tpu.memref_slice %arg14[%dma_wait3A_162] : memref<512xf32, #tpu.memory_space<vmem>> -> memref<128xf32, #tpu.memory_space<vmem>>
    %dma_wait3A_164 = arith.constant 0 : i32
    %dma_wait3A_165 = tpu.memref_slice %arg11[%dma_wait3A_161, %dma_wait3A_164] : memref<4x128xi32, #tpu.memory_space<vmem>> -> memref<1x128xi32, #tpu.memory_space<vmem>>
    %dma_wait3A_166 = tpu.memref_squeeze %dma_wait3A_165 : memref<1x128xi32, #tpu.memory_space<vmem>> -> memref<128xi32, #tpu.memory_space<vmem>>
    %dma_wait3A_167 = arith.constant 0 : i32
    %dma_wait3A_168 = tpu.memref_slice %arg5[%dma_wait3A_167] : memref<5000000xf32, #tpu.memory_space<hbm>> -> memref<5000000xf32, #tpu.memory_space<hbm>>
    tpu.wait_indirect_dma semaphore(%arg24 : memref<!tpu.dma_semaphore, #tpu.memory_space<semaphore_mem>>) src(%dma_wait3A_168 : memref<5000000xf32, #tpu.memory_space<hbm>>) dst(%dma_wait3A_163 : memref<128xf32, #tpu.memory_space<vmem>>)
    %dma_wait3A_169 = arith.constant 2 : i32
    %dma_wait3A_170 = arith.constant 2 : i32
    %dma_wait3A_171 = arith.constant 0 : i32
    %dma_wait3A_172 = tpu.memref_slice %arg12[%dma_wait3A_170, %dma_wait3A_171] : memref<4x128xi32, #tpu.memory_space<vmem>> -> memref<1x128xi32, #tpu.memory_space<vmem>>
    %dma_wait3A_173 = tpu.memref_squeeze %dma_wait3A_172 : memref<1x128xi32, #tpu.memory_space<vmem>> -> memref<128xi32, #tpu.memory_space<vmem>>
    %dma_wait3A_174 = arith.constant 0 : i32
    %dma_wait3A_175 = tpu.memref_slice %arg11[%dma_wait3A_169, %dma_wait3A_174] : memref<4x128xi32, #tpu.memory_space<vmem>> -> memref<1x128xi32, #tpu.memory_space<vmem>>
    %dma_wait3A_176 = tpu.memref_squeeze %dma_wait3A_175 : memref<1x128xi32, #tpu.memory_space<vmem>> -> memref<128xi32, #tpu.memory_space<vmem>>
    %dma_wait3A_177 = arith.constant 0 : i32
    %dma_wait3A_178 = tpu.memref_slice %arg3[%dma_wait3A_177] : memref<5000000xi32, #tpu.memory_space<hbm>> -> memref<5000000xi32, #tpu.memory_space<hbm>>
    tpu.wait_indirect_dma semaphore(%arg24 : memref<!tpu.dma_semaphore, #tpu.memory_space<semaphore_mem>>) src(%dma_wait3A_178 : memref<5000000xi32, #tpu.memory_space<hbm>>) dst(%dma_wait3A_173 : memref<128xi32, #tpu.memory_space<vmem>>)
    %dma_wait3A_179 = arith.constant 2 : i32
    %dma_wait3A_180 = arith.constant 2 : i32
    %dma_wait3A_181 = arith.constant 0 : i32
    %dma_wait3A_182 = tpu.memref_slice %arg13[%dma_wait3A_180, %dma_wait3A_181] : memref<4x128xi32, #tpu.memory_space<vmem>> -> memref<1x128xi32, #tpu.memory_space<vmem>>
    %dma_wait3A_183 = tpu.memref_squeeze %dma_wait3A_182 : memref<1x128xi32, #tpu.memory_space<vmem>> -> memref<128xi32, #tpu.memory_space<vmem>>
    %dma_wait3A_184 = arith.constant 0 : i32
    %dma_wait3A_185 = tpu.memref_slice %arg11[%dma_wait3A_179, %dma_wait3A_184] : memref<4x128xi32, #tpu.memory_space<vmem>> -> memref<1x128xi32, #tpu.memory_space<vmem>>
    %dma_wait3A_186 = tpu.memref_squeeze %dma_wait3A_185 : memref<1x128xi32, #tpu.memory_space<vmem>> -> memref<128xi32, #tpu.memory_space<vmem>>
    %dma_wait3A_187 = arith.constant 0 : i32
    %dma_wait3A_188 = tpu.memref_slice %arg4[%dma_wait3A_187] : memref<5000000xi32, #tpu.memory_space<hbm>> -> memref<5000000xi32, #tpu.memory_space<hbm>>
    tpu.wait_indirect_dma semaphore(%arg24 : memref<!tpu.dma_semaphore, #tpu.memory_space<semaphore_mem>>) src(%dma_wait3A_188 : memref<5000000xi32, #tpu.memory_space<hbm>>) dst(%dma_wait3A_183 : memref<128xi32, #tpu.memory_space<vmem>>)
    %dma_wait3A_189 = arith.constant 2 : i32
    %dma_wait3A_190 = arith.constant 256 : i32
    %dma_wait3A_191 = tpu.memref_slice %arg14[%dma_wait3A_190] : memref<512xf32, #tpu.memory_space<vmem>> -> memref<128xf32, #tpu.memory_space<vmem>>
    %dma_wait3A_192 = arith.constant 0 : i32
    %dma_wait3A_193 = tpu.memref_slice %arg11[%dma_wait3A_189, %dma_wait3A_192] : memref<4x128xi32, #tpu.memory_space<vmem>> -> memref<1x128xi32, #tpu.memory_space<vmem>>
    %dma_wait3A_194 = tpu.memref_squeeze %dma_wait3A_193 : memref<1x128xi32, #tpu.memory_space<vmem>> -> memref<128xi32, #tpu.memory_space<vmem>>
    %dma_wait3A_195 = arith.constant 0 : i32
    %dma_wait3A_196 = tpu.memref_slice %arg5[%dma_wait3A_195] : memref<5000000xf32, #tpu.memory_space<hbm>> -> memref<5000000xf32, #tpu.memory_space<hbm>>
    tpu.wait_indirect_dma semaphore(%arg24 : memref<!tpu.dma_semaphore, #tpu.memory_space<semaphore_mem>>) src(%dma_wait3A_196 : memref<5000000xf32, #tpu.memory_space<hbm>>) dst(%dma_wait3A_191 : memref<128xf32, #tpu.memory_space<vmem>>)
    %dma_wait3A_197 = arith.constant 3 : i32
    %dma_wait3A_198 = arith.constant 3 : i32
    %dma_wait3A_199 = arith.constant 0 : i32
    %dma_wait3A_200 = tpu.memref_slice %arg12[%dma_wait3A_198, %dma_wait3A_199] : memref<4x128xi32, #tpu.memory_space<vmem>> -> memref<1x128xi32, #tpu.memory_space<vmem>>
    %dma_wait3A_201 = tpu.memref_squeeze %dma_wait3A_200 : memref<1x128xi32, #tpu.memory_space<vmem>> -> memref<128xi32, #tpu.memory_space<vmem>>
    %dma_wait3A_202 = arith.constant 0 : i32
    %dma_wait3A_203 = tpu.memref_slice %arg11[%dma_wait3A_197, %dma_wait3A_202] : memref<4x128xi32, #tpu.memory_space<vmem>> -> memref<1x128xi32, #tpu.memory_space<vmem>>
    %dma_wait3A_204 = tpu.memref_squeeze %dma_wait3A_203 : memref<1x128xi32, #tpu.memory_space<vmem>> -> memref<128xi32, #tpu.memory_space<vmem>>
    %dma_wait3A_205 = arith.constant 0 : i32
    %dma_wait3A_206 = tpu.memref_slice %arg3[%dma_wait3A_205] : memref<5000000xi32, #tpu.memory_space<hbm>> -> memref<5000000xi32, #tpu.memory_space<hbm>>
    tpu.wait_indirect_dma semaphore(%arg24 : memref<!tpu.dma_semaphore, #tpu.memory_space<semaphore_mem>>) src(%dma_wait3A_206 : memref<5000000xi32, #tpu.memory_space<hbm>>) dst(%dma_wait3A_201 : memref<128xi32, #tpu.memory_space<vmem>>)
    %dma_wait3A_207 = arith.constant 3 : i32
    %dma_wait3A_208 = arith.constant 3 : i32
    %dma_wait3A_209 = arith.constant 0 : i32
    %dma_wait3A_210 = tpu.memref_slice %arg13[%dma_wait3A_208, %dma_wait3A_209] : memref<4x128xi32, #tpu.memory_space<vmem>> -> memref<1x128xi32, #tpu.memory_space<vmem>>
    %dma_wait3A_211 = tpu.memref_squeeze %dma_wait3A_210 : memref<1x128xi32, #tpu.memory_space<vmem>> -> memref<128xi32, #tpu.memory_space<vmem>>
    %dma_wait3A_212 = arith.constant 0 : i32
    %dma_wait3A_213 = tpu.memref_slice %arg11[%dma_wait3A_207, %dma_wait3A_212] : memref<4x128xi32, #tpu.memory_space<vmem>> -> memref<1x128xi32, #tpu.memory_space<vmem>>
    %dma_wait3A_214 = tpu.memref_squeeze %dma_wait3A_213 : memref<1x128xi32, #tpu.memory_space<vmem>> -> memref<128xi32, #tpu.memory_space<vmem>>
    %dma_wait3A_215 = arith.constant 0 : i32
    %dma_wait3A_216 = tpu.memref_slice %arg4[%dma_wait3A_215] : memref<5000000xi32, #tpu.memory_space<hbm>> -> memref<5000000xi32, #tpu.memory_space<hbm>>
    tpu.wait_indirect_dma semaphore(%arg24 : memref<!tpu.dma_semaphore, #tpu.memory_space<semaphore_mem>>) src(%dma_wait3A_216 : memref<5000000xi32, #tpu.memory_space<hbm>>) dst(%dma_wait3A_211 : memref<128xi32, #tpu.memory_space<vmem>>)
    %dma_wait3A_217 = arith.constant 3 : i32
    %dma_wait3A_218 = arith.constant 384 : i32
    %dma_wait3A_219 = tpu.memref_slice %arg14[%dma_wait3A_218] : memref<512xf32, #tpu.memory_space<vmem>> -> memref<128xf32, #tpu.memory_space<vmem>>
    %dma_wait3A_220 = arith.constant 0 : i32
    %dma_wait3A_221 = tpu.memref_slice %arg11[%dma_wait3A_217, %dma_wait3A_220] : memref<4x128xi32, #tpu.memory_space<vmem>> -> memref<1x128xi32, #tpu.memory_space<vmem>>
    %dma_wait3A_222 = tpu.memref_squeeze %dma_wait3A_221 : memref<1x128xi32, #tpu.memory_space<vmem>> -> memref<128xi32, #tpu.memory_space<vmem>>
    %dma_wait3A_223 = arith.constant 0 : i32
    %dma_wait3A_224 = tpu.memref_slice %arg5[%dma_wait3A_223] : memref<5000000xf32, #tpu.memory_space<hbm>> -> memref<5000000xf32, #tpu.memory_space<hbm>>
    tpu.wait_indirect_dma semaphore(%arg24 : memref<!tpu.dma_semaphore, #tpu.memory_space<semaphore_mem>>) src(%dma_wait3A_224 : memref<5000000xf32, #tpu.memory_space<hbm>>) dst(%dma_wait3A_219 : memref<128xf32, #tpu.memory_space<vmem>>)
    %dma_start3A_225 = arith.constant 0 : i32
    %dma_start3A_226 = arith.constant 0 : i32
    %dma_start3A_227 = arith.constant 0 : i32
    %dma_start3A_228 = tpu.memref_slice %arg15[%dma_start3A_226, %dma_start3A_227] : memref<512x32xf32, #tpu.memory_space<vmem>> -> memref<128x32xf32, #tpu.memory_space<vmem>>
    %dma_start3A_229 = arith.constant 0 : i32
    %dma_start3A_230 = tpu.memref_slice %arg12[%dma_start3A_225, %dma_start3A_229] : memref<4x128xi32, #tpu.memory_space<vmem>> -> memref<1x128xi32, #tpu.memory_space<vmem>>
    %dma_start3A_231 = tpu.memref_squeeze %dma_start3A_230 : memref<1x128xi32, #tpu.memory_space<vmem>> -> memref<128xi32, #tpu.memory_space<vmem>>
    %dma_start3A_232 = arith.constant 0 : i32
    %dma_start3A_233 = arith.constant 0 : i32
    %dma_start3A_234 = tpu.memref_slice %arg6[%dma_start3A_232, %dma_start3A_233] : memref<100000x32xf32, #tpu.memory_space<hbm>> -> memref<100000x32xf32, #tpu.memory_space<hbm>>
    tpu.enqueue_indirect_dma source(%dma_start3A_234 : memref<100000x32xf32, #tpu.memory_space<hbm>>) target(%dma_start3A_228 : memref<128x32xf32, #tpu.memory_space<vmem>>) offsets(%dma_start3A_231 : memref<128xi32, #tpu.memory_space<vmem>>) semaphore(%arg24 : memref<!tpu.dma_semaphore, #tpu.memory_space<semaphore_mem>>)
    %dma_start3A_235 = arith.constant 0 : i32
    %dma_start3A_236 = arith.constant 0 : i32
    %dma_start3A_237 = arith.constant 0 : i32
    %dma_start3A_238 = tpu.memref_slice %arg16[%dma_start3A_236, %dma_start3A_237] : memref<512x32xf32, #tpu.memory_space<vmem>> -> memref<128x32xf32, #tpu.memory_space<vmem>>
    %dma_start3A_239 = arith.constant 0 : i32
    %dma_start3A_240 = tpu.memref_slice %arg13[%dma_start3A_235, %dma_start3A_239] : memref<4x128xi32, #tpu.memory_space<vmem>> -> memref<1x128xi32, #tpu.memory_space<vmem>>
    %dma_start3A_241 = tpu.memref_squeeze %dma_start3A_240 : memref<1x128xi32, #tpu.memory_space<vmem>> -> memref<128xi32, #tpu.memory_space<vmem>>
    %dma_start3A_242 = arith.constant 0 : i32
    %dma_start3A_243 = arith.constant 0 : i32
    %dma_start3A_244 = tpu.memref_slice %arg7[%dma_start3A_242, %dma_start3A_243] : memref<100000x32xf32, #tpu.memory_space<hbm>> -> memref<100000x32xf32, #tpu.memory_space<hbm>>
    tpu.enqueue_indirect_dma source(%dma_start3A_244 : memref<100000x32xf32, #tpu.memory_space<hbm>>) target(%dma_start3A_238 : memref<128x32xf32, #tpu.memory_space<vmem>>) offsets(%dma_start3A_241 : memref<128xi32, #tpu.memory_space<vmem>>) semaphore(%arg24 : memref<!tpu.dma_semaphore, #tpu.memory_space<semaphore_mem>>)
    %dma_start3A_245 = arith.constant 0 : i32
    %dma_start3A_246 = arith.constant 0 : i32
    %dma_start3A_247 = tpu.memref_slice %arg17[%dma_start3A_246] : memref<512xf32, #tpu.memory_space<vmem>> -> memref<128xf32, #tpu.memory_space<vmem>>
    %dma_start3A_248 = arith.constant 0 : i32
    %dma_start3A_249 = tpu.memref_slice %arg12[%dma_start3A_245, %dma_start3A_248] : memref<4x128xi32, #tpu.memory_space<vmem>> -> memref<1x128xi32, #tpu.memory_space<vmem>>
    %dma_start3A_250 = tpu.memref_squeeze %dma_start3A_249 : memref<1x128xi32, #tpu.memory_space<vmem>> -> memref<128xi32, #tpu.memory_space<vmem>>
    %dma_start3A_251 = arith.constant 0 : i32
    %dma_start3A_252 = tpu.memref_slice %arg8[%dma_start3A_251] : memref<100000xf32, #tpu.memory_space<hbm>> -> memref<100000xf32, #tpu.memory_space<hbm>>
    tpu.enqueue_indirect_dma source(%dma_start3A_252 : memref<100000xf32, #tpu.memory_space<hbm>>) target(%dma_start3A_247 : memref<128xf32, #tpu.memory_space<vmem>>) offsets(%dma_start3A_250 : memref<128xi32, #tpu.memory_space<vmem>>) semaphore(%arg24 : memref<!tpu.dma_semaphore, #tpu.memory_space<semaphore_mem>>)
    %dma_start3A_253 = arith.constant 0 : i32
    %dma_start3A_254 = arith.constant 0 : i32
    %dma_start3A_255 = tpu.memref_slice %arg18[%dma_start3A_254] : memref<512xf32, #tpu.memory_space<vmem>> -> memref<128xf32, #tpu.memory_space<vmem>>
    %dma_start3A_256 = arith.constant 0 : i32
    %dma_start3A_257 = tpu.memref_slice %arg13[%dma_start3A_253, %dma_start3A_256] : memref<4x128xi32, #tpu.memory_space<vmem>> -> memref<1x128xi32, #tpu.memory_space<vmem>>
    %dma_start3A_258 = tpu.memref_squeeze %dma_start3A_257 : memref<1x128xi32, #tpu.memory_space<vmem>> -> memref<128xi32, #tpu.memory_space<vmem>>
    %dma_start3A_259 = arith.constant 0 : i32
    %dma_start3A_260 = tpu.memref_slice %arg9[%dma_start3A_259] : memref<100000xf32, #tpu.memory_space<hbm>> -> memref<100000xf32, #tpu.memory_space<hbm>>
    tpu.enqueue_indirect_dma source(%dma_start3A_260 : memref<100000xf32, #tpu.memory_space<hbm>>) target(%dma_start3A_255 : memref<128xf32, #tpu.memory_space<vmem>>) offsets(%dma_start3A_258 : memref<128xi32, #tpu.memory_space<vmem>>) semaphore(%arg24 : memref<!tpu.dma_semaphore, #tpu.memory_space<semaphore_mem>>)
    %dma_start3A_261 = arith.constant 1 : i32
    %dma_start3A_262 = arith.constant 128 : i32
    %dma_start3A_263 = arith.constant 0 : i32
    %dma_start3A_264 = tpu.memref_slice %arg15[%dma_start3A_262, %dma_start3A_263] : memref<512x32xf32, #tpu.memory_space<vmem>> -> memref<128x32xf32, #tpu.memory_space<vmem>>
    %dma_start3A_265 = arith.constant 0 : i32
    %dma_start3A_266 = tpu.memref_slice %arg12[%dma_start3A_261, %dma_start3A_265] : memref<4x128xi32, #tpu.memory_space<vmem>> -> memref<1x128xi32, #tpu.memory_space<vmem>>
    %dma_start3A_267 = tpu.memref_squeeze %dma_start3A_266 : memref<1x128xi32, #tpu.memory_space<vmem>> -> memref<128xi32, #tpu.memory_space<vmem>>
    %dma_start3A_268 = arith.constant 0 : i32
    %dma_start3A_269 = arith.constant 0 : i32
    %dma_start3A_270 = tpu.memref_slice %arg6[%dma_start3A_268, %dma_start3A_269] : memref<100000x32xf32, #tpu.memory_space<hbm>> -> memref<100000x32xf32, #tpu.memory_space<hbm>>
    tpu.enqueue_indirect_dma source(%dma_start3A_270 : memref<100000x32xf32, #tpu.memory_space<hbm>>) target(%dma_start3A_264 : memref<128x32xf32, #tpu.memory_space<vmem>>) offsets(%dma_start3A_267 : memref<128xi32, #tpu.memory_space<vmem>>) semaphore(%arg24 : memref<!tpu.dma_semaphore, #tpu.memory_space<semaphore_mem>>)
    %dma_start3A_271 = arith.constant 1 : i32
    %dma_start3A_272 = arith.constant 128 : i32
    %dma_start3A_273 = arith.constant 0 : i32
    %dma_start3A_274 = tpu.memref_slice %arg16[%dma_start3A_272, %dma_start3A_273] : memref<512x32xf32, #tpu.memory_space<vmem>> -> memref<128x32xf32, #tpu.memory_space<vmem>>
    %dma_start3A_275 = arith.constant 0 : i32
    %dma_start3A_276 = tpu.memref_slice %arg13[%dma_start3A_271, %dma_start3A_275] : memref<4x128xi32, #tpu.memory_space<vmem>> -> memref<1x128xi32, #tpu.memory_space<vmem>>
    %dma_start3A_277 = tpu.memref_squeeze %dma_start3A_276 : memref<1x128xi32, #tpu.memory_space<vmem>> -> memref<128xi32, #tpu.memory_space<vmem>>
    %dma_start3A_278 = arith.constant 0 : i32
    %dma_start3A_279 = arith.constant 0 : i32
    %dma_start3A_280 = tpu.memref_slice %arg7[%dma_start3A_278, %dma_start3A_279] : memref<100000x32xf32, #tpu.memory_space<hbm>> -> memref<100000x32xf32, #tpu.memory_space<hbm>>
    tpu.enqueue_indirect_dma source(%dma_start3A_280 : memref<100000x32xf32, #tpu.memory_space<hbm>>) target(%dma_start3A_274 : memref<128x32xf32, #tpu.memory_space<vmem>>) offsets(%dma_start3A_277 : memref<128xi32, #tpu.memory_space<vmem>>) semaphore(%arg24 : memref<!tpu.dma_semaphore, #tpu.memory_space<semaphore_mem>>)
    %dma_start3A_281 = arith.constant 1 : i32
    %dma_start3A_282 = arith.constant 128 : i32
    %dma_start3A_283 = tpu.memref_slice %arg17[%dma_start3A_282] : memref<512xf32, #tpu.memory_space<vmem>> -> memref<128xf32, #tpu.memory_space<vmem>>
    %dma_start3A_284 = arith.constant 0 : i32
    %dma_start3A_285 = tpu.memref_slice %arg12[%dma_start3A_281, %dma_start3A_284] : memref<4x128xi32, #tpu.memory_space<vmem>> -> memref<1x128xi32, #tpu.memory_space<vmem>>
    %dma_start3A_286 = tpu.memref_squeeze %dma_start3A_285 : memref<1x128xi32, #tpu.memory_space<vmem>> -> memref<128xi32, #tpu.memory_space<vmem>>
    %dma_start3A_287 = arith.constant 0 : i32
    %dma_start3A_288 = tpu.memref_slice %arg8[%dma_start3A_287] : memref<100000xf32, #tpu.memory_space<hbm>> -> memref<100000xf32, #tpu.memory_space<hbm>>
    tpu.enqueue_indirect_dma source(%dma_start3A_288 : memref<100000xf32, #tpu.memory_space<hbm>>) target(%dma_start3A_283 : memref<128xf32, #tpu.memory_space<vmem>>) offsets(%dma_start3A_286 : memref<128xi32, #tpu.memory_space<vmem>>) semaphore(%arg24 : memref<!tpu.dma_semaphore, #tpu.memory_space<semaphore_mem>>)
    %dma_start3A_289 = arith.constant 1 : i32
    %dma_start3A_290 = arith.constant 128 : i32
    %dma_start3A_291 = tpu.memref_slice %arg18[%dma_start3A_290] : memref<512xf32, #tpu.memory_space<vmem>> -> memref<128xf32, #tpu.memory_space<vmem>>
    %dma_start3A_292 = arith.constant 0 : i32
    %dma_start3A_293 = tpu.memref_slice %arg13[%dma_start3A_289, %dma_start3A_292] : memref<4x128xi32, #tpu.memory_space<vmem>> -> memref<1x128xi32, #tpu.memory_space<vmem>>
    %dma_start3A_294 = tpu.memref_squeeze %dma_start3A_293 : memref<1x128xi32, #tpu.memory_space<vmem>> -> memref<128xi32, #tpu.memory_space<vmem>>
    %dma_start3A_295 = arith.constant 0 : i32
    %dma_start3A_296 = tpu.memref_slice %arg9[%dma_start3A_295] : memref<100000xf32, #tpu.memory_space<hbm>> -> memref<100000xf32, #tpu.memory_space<hbm>>
    tpu.enqueue_indirect_dma source(%dma_start3A_296 : memref<100000xf32, #tpu.memory_space<hbm>>) target(%dma_start3A_291 : memref<128xf32, #tpu.memory_space<vmem>>) offsets(%dma_start3A_294 : memref<128xi32, #tpu.memory_space<vmem>>) semaphore(%arg24 : memref<!tpu.dma_semaphore, #tpu.memory_space<semaphore_mem>>)
    %dma_start3A_297 = arith.constant 2 : i32
    %dma_start3A_298 = arith.constant 256 : i32
    %dma_start3A_299 = arith.constant 0 : i32
    %dma_start3A_300 = tpu.memref_slice %arg15[%dma_start3A_298, %dma_start3A_299] : memref<512x32xf32, #tpu.memory_space<vmem>> -> memref<128x32xf32, #tpu.memory_space<vmem>>
    %dma_start3A_301 = arith.constant 0 : i32
    %dma_start3A_302 = tpu.memref_slice %arg12[%dma_start3A_297, %dma_start3A_301] : memref<4x128xi32, #tpu.memory_space<vmem>> -> memref<1x128xi32, #tpu.memory_space<vmem>>
    %dma_start3A_303 = tpu.memref_squeeze %dma_start3A_302 : memref<1x128xi32, #tpu.memory_space<vmem>> -> memref<128xi32, #tpu.memory_space<vmem>>
    %dma_start3A_304 = arith.constant 0 : i32
    %dma_start3A_305 = arith.constant 0 : i32
    %dma_start3A_306 = tpu.memref_slice %arg6[%dma_start3A_304, %dma_start3A_305] : memref<100000x32xf32, #tpu.memory_space<hbm>> -> memref<100000x32xf32, #tpu.memory_space<hbm>>
    tpu.enqueue_indirect_dma source(%dma_start3A_306 : memref<100000x32xf32, #tpu.memory_space<hbm>>) target(%dma_start3A_300 : memref<128x32xf32, #tpu.memory_space<vmem>>) offsets(%dma_start3A_303 : memref<128xi32, #tpu.memory_space<vmem>>) semaphore(%arg24 : memref<!tpu.dma_semaphore, #tpu.memory_space<semaphore_mem>>)
    %dma_start3A_307 = arith.constant 2 : i32
    %dma_start3A_308 = arith.constant 256 : i32
    %dma_start3A_309 = arith.constant 0 : i32
    %dma_start3A_310 = tpu.memref_slice %arg16[%dma_start3A_308, %dma_start3A_309] : memref<512x32xf32, #tpu.memory_space<vmem>> -> memref<128x32xf32, #tpu.memory_space<vmem>>
    %dma_start3A_311 = arith.constant 0 : i32
    %dma_start3A_312 = tpu.memref_slice %arg13[%dma_start3A_307, %dma_start3A_311] : memref<4x128xi32, #tpu.memory_space<vmem>> -> memref<1x128xi32, #tpu.memory_space<vmem>>
    %dma_start3A_313 = tpu.memref_squeeze %dma_start3A_312 : memref<1x128xi32, #tpu.memory_space<vmem>> -> memref<128xi32, #tpu.memory_space<vmem>>
    %dma_start3A_314 = arith.constant 0 : i32
    %dma_start3A_315 = arith.constant 0 : i32
    %dma_start3A_316 = tpu.memref_slice %arg7[%dma_start3A_314, %dma_start3A_315] : memref<100000x32xf32, #tpu.memory_space<hbm>> -> memref<100000x32xf32, #tpu.memory_space<hbm>>
    tpu.enqueue_indirect_dma source(%dma_start3A_316 : memref<100000x32xf32, #tpu.memory_space<hbm>>) target(%dma_start3A_310 : memref<128x32xf32, #tpu.memory_space<vmem>>) offsets(%dma_start3A_313 : memref<128xi32, #tpu.memory_space<vmem>>) semaphore(%arg24 : memref<!tpu.dma_semaphore, #tpu.memory_space<semaphore_mem>>)
    %dma_start3A_317 = arith.constant 2 : i32
    %dma_start3A_318 = arith.constant 256 : i32
    %dma_start3A_319 = tpu.memref_slice %arg17[%dma_start3A_318] : memref<512xf32, #tpu.memory_space<vmem>> -> memref<128xf32, #tpu.memory_space<vmem>>
    %dma_start3A_320 = arith.constant 0 : i32
    %dma_start3A_321 = tpu.memref_slice %arg12[%dma_start3A_317, %dma_start3A_320] : memref<4x128xi32, #tpu.memory_space<vmem>> -> memref<1x128xi32, #tpu.memory_space<vmem>>
    %dma_start3A_322 = tpu.memref_squeeze %dma_start3A_321 : memref<1x128xi32, #tpu.memory_space<vmem>> -> memref<128xi32, #tpu.memory_space<vmem>>
    %dma_start3A_323 = arith.constant 0 : i32
    %dma_start3A_324 = tpu.memref_slice %arg8[%dma_start3A_323] : memref<100000xf32, #tpu.memory_space<hbm>> -> memref<100000xf32, #tpu.memory_space<hbm>>
    tpu.enqueue_indirect_dma source(%dma_start3A_324 : memref<100000xf32, #tpu.memory_space<hbm>>) target(%dma_start3A_319 : memref<128xf32, #tpu.memory_space<vmem>>) offsets(%dma_start3A_322 : memref<128xi32, #tpu.memory_space<vmem>>) semaphore(%arg24 : memref<!tpu.dma_semaphore, #tpu.memory_space<semaphore_mem>>)
    %dma_start3A_325 = arith.constant 2 : i32
    %dma_start3A_326 = arith.constant 256 : i32
    %dma_start3A_327 = tpu.memref_slice %arg18[%dma_start3A_326] : memref<512xf32, #tpu.memory_space<vmem>> -> memref<128xf32, #tpu.memory_space<vmem>>
    %dma_start3A_328 = arith.constant 0 : i32
    %dma_start3A_329 = tpu.memref_slice %arg13[%dma_start3A_325, %dma_start3A_328] : memref<4x128xi32, #tpu.memory_space<vmem>> -> memref<1x128xi32, #tpu.memory_space<vmem>>
    %dma_start3A_330 = tpu.memref_squeeze %dma_start3A_329 : memref<1x128xi32, #tpu.memory_space<vmem>> -> memref<128xi32, #tpu.memory_space<vmem>>
    %dma_start3A_331 = arith.constant 0 : i32
    %dma_start3A_332 = tpu.memref_slice %arg9[%dma_start3A_331] : memref<100000xf32, #tpu.memory_space<hbm>> -> memref<100000xf32, #tpu.memory_space<hbm>>
    tpu.enqueue_indirect_dma source(%dma_start3A_332 : memref<100000xf32, #tpu.memory_space<hbm>>) target(%dma_start3A_327 : memref<128xf32, #tpu.memory_space<vmem>>) offsets(%dma_start3A_330 : memref<128xi32, #tpu.memory_space<vmem>>) semaphore(%arg24 : memref<!tpu.dma_semaphore, #tpu.memory_space<semaphore_mem>>)
    %dma_start3A_333 = arith.constant 3 : i32
    %dma_start3A_334 = arith.constant 384 : i32
    %dma_start3A_335 = arith.constant 0 : i32
    %dma_start3A_336 = tpu.memref_slice %arg15[%dma_start3A_334, %dma_start3A_335] : memref<512x32xf32, #tpu.memory_space<vmem>> -> memref<128x32xf32, #tpu.memory_space<vmem>>
    %dma_start3A_337 = arith.constant 0 : i32
    %dma_start3A_338 = tpu.memref_slice %arg12[%dma_start3A_333, %dma_start3A_337] : memref<4x128xi32, #tpu.memory_space<vmem>> -> memref<1x128xi32, #tpu.memory_space<vmem>>
    %dma_start3A_339 = tpu.memref_squeeze %dma_start3A_338 : memref<1x128xi32, #tpu.memory_space<vmem>> -> memref<128xi32, #tpu.memory_space<vmem>>
    %dma_start3A_340 = arith.constant 0 : i32
    %dma_start3A_341 = arith.constant 0 : i32
    %dma_start3A_342 = tpu.memref_slice %arg6[%dma_start3A_340, %dma_start3A_341] : memref<100000x32xf32, #tpu.memory_space<hbm>> -> memref<100000x32xf32, #tpu.memory_space<hbm>>
    tpu.enqueue_indirect_dma source(%dma_start3A_342 : memref<100000x32xf32, #tpu.memory_space<hbm>>) target(%dma_start3A_336 : memref<128x32xf32, #tpu.memory_space<vmem>>) offsets(%dma_start3A_339 : memref<128xi32, #tpu.memory_space<vmem>>) semaphore(%arg24 : memref<!tpu.dma_semaphore, #tpu.memory_space<semaphore_mem>>)
    %dma_start3A_343 = arith.constant 3 : i32
    %dma_start3A_344 = arith.constant 384 : i32
    %dma_start3A_345 = arith.constant 0 : i32
    %dma_start3A_346 = tpu.memref_slice %arg16[%dma_start3A_344, %dma_start3A_345] : memref<512x32xf32, #tpu.memory_space<vmem>> -> memref<128x32xf32, #tpu.memory_space<vmem>>
    %dma_start3A_347 = arith.constant 0 : i32
    %dma_start3A_348 = tpu.memref_slice %arg13[%dma_start3A_343, %dma_start3A_347] : memref<4x128xi32, #tpu.memory_space<vmem>> -> memref<1x128xi32, #tpu.memory_space<vmem>>
    %dma_start3A_349 = tpu.memref_squeeze %dma_start3A_348 : memref<1x128xi32, #tpu.memory_space<vmem>> -> memref<128xi32, #tpu.memory_space<vmem>>
    %dma_start3A_350 = arith.constant 0 : i32
    %dma_start3A_351 = arith.constant 0 : i32
    %dma_start3A_352 = tpu.memref_slice %arg7[%dma_start3A_350, %dma_start3A_351] : memref<100000x32xf32, #tpu.memory_space<hbm>> -> memref<100000x32xf32, #tpu.memory_space<hbm>>
    tpu.enqueue_indirect_dma source(%dma_start3A_352 : memref<100000x32xf32, #tpu.memory_space<hbm>>) target(%dma_start3A_346 : memref<128x32xf32, #tpu.memory_space<vmem>>) offsets(%dma_start3A_349 : memref<128xi32, #tpu.memory_space<vmem>>) semaphore(%arg24 : memref<!tpu.dma_semaphore, #tpu.memory_space<semaphore_mem>>)
    %dma_start3A_353 = arith.constant 3 : i32
    %dma_start3A_354 = arith.constant 384 : i32
    %dma_start3A_355 = tpu.memref_slice %arg17[%dma_start3A_354] : memref<512xf32, #tpu.memory_space<vmem>> -> memref<128xf32, #tpu.memory_space<vmem>>
    %dma_start3A_356 = arith.constant 0 : i32
    %dma_start3A_357 = tpu.memref_slice %arg12[%dma_start3A_353, %dma_start3A_356] : memref<4x128xi32, #tpu.memory_space<vmem>> -> memref<1x128xi32, #tpu.memory_space<vmem>>
    %dma_start3A_358 = tpu.memref_squeeze %dma_start3A_357 : memref<1x128xi32, #tpu.memory_space<vmem>> -> memref<128xi32, #tpu.memory_space<vmem>>
    %dma_start3A_359 = arith.constant 0 : i32
    %dma_start3A_360 = tpu.memref_slice %arg8[%dma_start3A_359] : memref<100000xf32, #tpu.memory_space<hbm>> -> memref<100000xf32, #tpu.memory_space<hbm>>
    tpu.enqueue_indirect_dma source(%dma_start3A_360 : memref<100000xf32, #tpu.memory_space<hbm>>) target(%dma_start3A_355 : memref<128xf32, #tpu.memory_space<vmem>>) offsets(%dma_start3A_358 : memref<128xi32, #tpu.memory_space<vmem>>) semaphore(%arg24 : memref<!tpu.dma_semaphore, #tpu.memory_space<semaphore_mem>>)
    %dma_start3A_361 = arith.constant 3 : i32
    %dma_start3A_362 = arith.constant 384 : i32
    %dma_start3A_363 = tpu.memref_slice %arg18[%dma_start3A_362] : memref<512xf32, #tpu.memory_space<vmem>> -> memref<128xf32, #tpu.memory_space<vmem>>
    %dma_start3A_364 = arith.constant 0 : i32
    %dma_start3A_365 = tpu.memref_slice %arg13[%dma_start3A_361, %dma_start3A_364] : memref<4x128xi32, #tpu.memory_space<vmem>> -> memref<1x128xi32, #tpu.memory_space<vmem>>
    %dma_start3A_366 = tpu.memref_squeeze %dma_start3A_365 : memref<1x128xi32, #tpu.memory_space<vmem>> -> memref<128xi32, #tpu.memory_space<vmem>>
    %dma_start3A_367 = arith.constant 0 : i32
    %dma_start3A_368 = tpu.memref_slice %arg9[%dma_start3A_367] : memref<100000xf32, #tpu.memory_space<hbm>> -> memref<100000xf32, #tpu.memory_space<hbm>>
    tpu.enqueue_indirect_dma source(%dma_start3A_368 : memref<100000xf32, #tpu.memory_space<hbm>>) target(%dma_start3A_363 : memref<128xf32, #tpu.memory_space<vmem>>) offsets(%dma_start3A_366 : memref<128xi32, #tpu.memory_space<vmem>>) semaphore(%arg24 : memref<!tpu.dma_semaphore, #tpu.memory_space<semaphore_mem>>)
    %dma_wait3A_369 = arith.constant 0 : i32
    %dma_wait3A_370 = arith.constant 0 : i32
    %dma_wait3A_371 = arith.constant 0 : i32
    %dma_wait3A_372 = tpu.memref_slice %arg15[%dma_wait3A_370, %dma_wait3A_371] : memref<512x32xf32, #tpu.memory_space<vmem>> -> memref<128x32xf32, #tpu.memory_space<vmem>>
    %dma_wait3A_373 = arith.constant 0 : i32
    %dma_wait3A_374 = tpu.memref_slice %arg12[%dma_wait3A_369, %dma_wait3A_373] : memref<4x128xi32, #tpu.memory_space<vmem>> -> memref<1x128xi32, #tpu.memory_space<vmem>>
    %dma_wait3A_375 = tpu.memref_squeeze %dma_wait3A_374 : memref<1x128xi32, #tpu.memory_space<vmem>> -> memref<128xi32, #tpu.memory_space<vmem>>
    %dma_wait3A_376 = arith.constant 0 : i32
    %dma_wait3A_377 = arith.constant 0 : i32
    %dma_wait3A_378 = tpu.memref_slice %arg6[%dma_wait3A_376, %dma_wait3A_377] : memref<100000x32xf32, #tpu.memory_space<hbm>> -> memref<100000x32xf32, #tpu.memory_space<hbm>>
    tpu.wait_indirect_dma semaphore(%arg24 : memref<!tpu.dma_semaphore, #tpu.memory_space<semaphore_mem>>) src(%dma_wait3A_378 : memref<100000x32xf32, #tpu.memory_space<hbm>>) dst(%dma_wait3A_372 : memref<128x32xf32, #tpu.memory_space<vmem>>)
    %dma_wait3A_379 = arith.constant 0 : i32
    %dma_wait3A_380 = arith.constant 0 : i32
    %dma_wait3A_381 = arith.constant 0 : i32
    %dma_wait3A_382 = tpu.memref_slice %arg16[%dma_wait3A_380, %dma_wait3A_381] : memref<512x32xf32, #tpu.memory_space<vmem>> -> memref<128x32xf32, #tpu.memory_space<vmem>>
    %dma_wait3A_383 = arith.constant 0 : i32
    %dma_wait3A_384 = tpu.memref_slice %arg13[%dma_wait3A_379, %dma_wait3A_383] : memref<4x128xi32, #tpu.memory_space<vmem>> -> memref<1x128xi32, #tpu.memory_space<vmem>>
    %dma_wait3A_385 = tpu.memref_squeeze %dma_wait3A_384 : memref<1x128xi32, #tpu.memory_space<vmem>> -> memref<128xi32, #tpu.memory_space<vmem>>
    %dma_wait3A_386 = arith.constant 0 : i32
    %dma_wait3A_387 = arith.constant 0 : i32
    %dma_wait3A_388 = tpu.memref_slice %arg7[%dma_wait3A_386, %dma_wait3A_387] : memref<100000x32xf32, #tpu.memory_space<hbm>> -> memref<100000x32xf32, #tpu.memory_space<hbm>>
    tpu.wait_indirect_dma semaphore(%arg24 : memref<!tpu.dma_semaphore, #tpu.memory_space<semaphore_mem>>) src(%dma_wait3A_388 : memref<100000x32xf32, #tpu.memory_space<hbm>>) dst(%dma_wait3A_382 : memref<128x32xf32, #tpu.memory_space<vmem>>)
    %dma_wait3A_389 = arith.constant 0 : i32
    %dma_wait3A_390 = arith.constant 0 : i32
    %dma_wait3A_391 = tpu.memref_slice %arg17[%dma_wait3A_390] : memref<512xf32, #tpu.memory_space<vmem>> -> memref<128xf32, #tpu.memory_space<vmem>>
    %dma_wait3A_392 = arith.constant 0 : i32
    %dma_wait3A_393 = tpu.memref_slice %arg12[%dma_wait3A_389, %dma_wait3A_392] : memref<4x128xi32, #tpu.memory_space<vmem>> -> memref<1x128xi32, #tpu.memory_space<vmem>>
    %dma_wait3A_394 = tpu.memref_squeeze %dma_wait3A_393 : memref<1x128xi32, #tpu.memory_space<vmem>> -> memref<128xi32, #tpu.memory_space<vmem>>
    %dma_wait3A_395 = arith.constant 0 : i32
    %dma_wait3A_396 = tpu.memref_slice %arg8[%dma_wait3A_395] : memref<100000xf32, #tpu.memory_space<hbm>> -> memref<100000xf32, #tpu.memory_space<hbm>>
    tpu.wait_indirect_dma semaphore(%arg24 : memref<!tpu.dma_semaphore, #tpu.memory_space<semaphore_mem>>) src(%dma_wait3A_396 : memref<100000xf32, #tpu.memory_space<hbm>>) dst(%dma_wait3A_391 : memref<128xf32, #tpu.memory_space<vmem>>)
    %dma_wait3A_397 = arith.constant 0 : i32
    %dma_wait3A_398 = arith.constant 0 : i32
    %dma_wait3A_399 = tpu.memref_slice %arg18[%dma_wait3A_398] : memref<512xf32, #tpu.memory_space<vmem>> -> memref<128xf32, #tpu.memory_space<vmem>>
    %dma_wait3A_400 = arith.constant 0 : i32
    %dma_wait3A_401 = tpu.memref_slice %arg13[%dma_wait3A_397, %dma_wait3A_400] : memref<4x128xi32, #tpu.memory_space<vmem>> -> memref<1x128xi32, #tpu.memory_space<vmem>>
    %dma_wait3A_402 = tpu.memref_squeeze %dma_wait3A_401 : memref<1x128xi32, #tpu.memory_space<vmem>> -> memref<128xi32, #tpu.memory_space<vmem>>
    %dma_wait3A_403 = arith.constant 0 : i32
    %dma_wait3A_404 = tpu.memref_slice %arg9[%dma_wait3A_403] : memref<100000xf32, #tpu.memory_space<hbm>> -> memref<100000xf32, #tpu.memory_space<hbm>>
    tpu.wait_indirect_dma semaphore(%arg24 : memref<!tpu.dma_semaphore, #tpu.memory_space<semaphore_mem>>) src(%dma_wait3A_404 : memref<100000xf32, #tpu.memory_space<hbm>>) dst(%dma_wait3A_399 : memref<128xf32, #tpu.memory_space<vmem>>)
    %dma_wait3A_405 = arith.constant 1 : i32
    %dma_wait3A_406 = arith.constant 128 : i32
    %dma_wait3A_407 = arith.constant 0 : i32
    %dma_wait3A_408 = tpu.memref_slice %arg15[%dma_wait3A_406, %dma_wait3A_407] : memref<512x32xf32, #tpu.memory_space<vmem>> -> memref<128x32xf32, #tpu.memory_space<vmem>>
    %dma_wait3A_409 = arith.constant 0 : i32
    %dma_wait3A_410 = tpu.memref_slice %arg12[%dma_wait3A_405, %dma_wait3A_409] : memref<4x128xi32, #tpu.memory_space<vmem>> -> memref<1x128xi32, #tpu.memory_space<vmem>>
    %dma_wait3A_411 = tpu.memref_squeeze %dma_wait3A_410 : memref<1x128xi32, #tpu.memory_space<vmem>> -> memref<128xi32, #tpu.memory_space<vmem>>
    %dma_wait3A_412 = arith.constant 0 : i32
    %dma_wait3A_413 = arith.constant 0 : i32
    %dma_wait3A_414 = tpu.memref_slice %arg6[%dma_wait3A_412, %dma_wait3A_413] : memref<100000x32xf32, #tpu.memory_space<hbm>> -> memref<100000x32xf32, #tpu.memory_space<hbm>>
    tpu.wait_indirect_dma semaphore(%arg24 : memref<!tpu.dma_semaphore, #tpu.memory_space<semaphore_mem>>) src(%dma_wait3A_414 : memref<100000x32xf32, #tpu.memory_space<hbm>>) dst(%dma_wait3A_408 : memref<128x32xf32, #tpu.memory_space<vmem>>)
    %dma_wait3A_415 = arith.constant 1 : i32
    %dma_wait3A_416 = arith.constant 128 : i32
    %dma_wait3A_417 = arith.constant 0 : i32
    %dma_wait3A_418 = tpu.memref_slice %arg16[%dma_wait3A_416, %dma_wait3A_417] : memref<512x32xf32, #tpu.memory_space<vmem>> -> memref<128x32xf32, #tpu.memory_space<vmem>>
    %dma_wait3A_419 = arith.constant 0 : i32
    %dma_wait3A_420 = tpu.memref_slice %arg13[%dma_wait3A_415, %dma_wait3A_419] : memref<4x128xi32, #tpu.memory_space<vmem>> -> memref<1x128xi32, #tpu.memory_space<vmem>>
    %dma_wait3A_421 = tpu.memref_squeeze %dma_wait3A_420 : memref<1x128xi32, #tpu.memory_space<vmem>> -> memref<128xi32, #tpu.memory_space<vmem>>
    %dma_wait3A_422 = arith.constant 0 : i32
    %dma_wait3A_423 = arith.constant 0 : i32
    %dma_wait3A_424 = tpu.memref_slice %arg7[%dma_wait3A_422, %dma_wait3A_423] : memref<100000x32xf32, #tpu.memory_space<hbm>> -> memref<100000x32xf32, #tpu.memory_space<hbm>>
    tpu.wait_indirect_dma semaphore(%arg24 : memref<!tpu.dma_semaphore, #tpu.memory_space<semaphore_mem>>) src(%dma_wait3A_424 : memref<100000x32xf32, #tpu.memory_space<hbm>>) dst(%dma_wait3A_418 : memref<128x32xf32, #tpu.memory_space<vmem>>)
    %dma_wait3A_425 = arith.constant 1 : i32
    %dma_wait3A_426 = arith.constant 128 : i32
    %dma_wait3A_427 = tpu.memref_slice %arg17[%dma_wait3A_426] : memref<512xf32, #tpu.memory_space<vmem>> -> memref<128xf32, #tpu.memory_space<vmem>>
    %dma_wait3A_428 = arith.constant 0 : i32
    %dma_wait3A_429 = tpu.memref_slice %arg12[%dma_wait3A_425, %dma_wait3A_428] : memref<4x128xi32, #tpu.memory_space<vmem>> -> memref<1x128xi32, #tpu.memory_space<vmem>>
    %dma_wait3A_430 = tpu.memref_squeeze %dma_wait3A_429 : memref<1x128xi32, #tpu.memory_space<vmem>> -> memref<128xi32, #tpu.memory_space<vmem>>
    %dma_wait3A_431 = arith.constant 0 : i32
    %dma_wait3A_432 = tpu.memref_slice %arg8[%dma_wait3A_431] : memref<100000xf32, #tpu.memory_space<hbm>> -> memref<100000xf32, #tpu.memory_space<hbm>>
    tpu.wait_indirect_dma semaphore(%arg24 : memref<!tpu.dma_semaphore, #tpu.memory_space<semaphore_mem>>) src(%dma_wait3A_432 : memref<100000xf32, #tpu.memory_space<hbm>>) dst(%dma_wait3A_427 : memref<128xf32, #tpu.memory_space<vmem>>)
    %dma_wait3A_433 = arith.constant 1 : i32
    %dma_wait3A_434 = arith.constant 128 : i32
    %dma_wait3A_435 = tpu.memref_slice %arg18[%dma_wait3A_434] : memref<512xf32, #tpu.memory_space<vmem>> -> memref<128xf32, #tpu.memory_space<vmem>>
    %dma_wait3A_436 = arith.constant 0 : i32
    %dma_wait3A_437 = tpu.memref_slice %arg13[%dma_wait3A_433, %dma_wait3A_436] : memref<4x128xi32, #tpu.memory_space<vmem>> -> memref<1x128xi32, #tpu.memory_space<vmem>>
    %dma_wait3A_438 = tpu.memref_squeeze %dma_wait3A_437 : memref<1x128xi32, #tpu.memory_space<vmem>> -> memref<128xi32, #tpu.memory_space<vmem>>
    %dma_wait3A_439 = arith.constant 0 : i32
    %dma_wait3A_440 = tpu.memref_slice %arg9[%dma_wait3A_439] : memref<100000xf32, #tpu.memory_space<hbm>> -> memref<100000xf32, #tpu.memory_space<hbm>>
    tpu.wait_indirect_dma semaphore(%arg24 : memref<!tpu.dma_semaphore, #tpu.memory_space<semaphore_mem>>) src(%dma_wait3A_440 : memref<100000xf32, #tpu.memory_space<hbm>>) dst(%dma_wait3A_435 : memref<128xf32, #tpu.memory_space<vmem>>)
    %dma_wait3A_441 = arith.constant 2 : i32
    %dma_wait3A_442 = arith.constant 256 : i32
    %dma_wait3A_443 = arith.constant 0 : i32
    %dma_wait3A_444 = tpu.memref_slice %arg15[%dma_wait3A_442, %dma_wait3A_443] : memref<512x32xf32, #tpu.memory_space<vmem>> -> memref<128x32xf32, #tpu.memory_space<vmem>>
    %dma_wait3A_445 = arith.constant 0 : i32
    %dma_wait3A_446 = tpu.memref_slice %arg12[%dma_wait3A_441, %dma_wait3A_445] : memref<4x128xi32, #tpu.memory_space<vmem>> -> memref<1x128xi32, #tpu.memory_space<vmem>>
    %dma_wait3A_447 = tpu.memref_squeeze %dma_wait3A_446 : memref<1x128xi32, #tpu.memory_space<vmem>> -> memref<128xi32, #tpu.memory_space<vmem>>
    %dma_wait3A_448 = arith.constant 0 : i32
    %dma_wait3A_449 = arith.constant 0 : i32
    %dma_wait3A_450 = tpu.memref_slice %arg6[%dma_wait3A_448, %dma_wait3A_449] : memref<100000x32xf32, #tpu.memory_space<hbm>> -> memref<100000x32xf32, #tpu.memory_space<hbm>>
    tpu.wait_indirect_dma semaphore(%arg24 : memref<!tpu.dma_semaphore, #tpu.memory_space<semaphore_mem>>) src(%dma_wait3A_450 : memref<100000x32xf32, #tpu.memory_space<hbm>>) dst(%dma_wait3A_444 : memref<128x32xf32, #tpu.memory_space<vmem>>)
    %dma_wait3A_451 = arith.constant 2 : i32
    %dma_wait3A_452 = arith.constant 256 : i32
    %dma_wait3A_453 = arith.constant 0 : i32
    %dma_wait3A_454 = tpu.memref_slice %arg16[%dma_wait3A_452, %dma_wait3A_453] : memref<512x32xf32, #tpu.memory_space<vmem>> -> memref<128x32xf32, #tpu.memory_space<vmem>>
    %dma_wait3A_455 = arith.constant 0 : i32
    %dma_wait3A_456 = tpu.memref_slice %arg13[%dma_wait3A_451, %dma_wait3A_455] : memref<4x128xi32, #tpu.memory_space<vmem>> -> memref<1x128xi32, #tpu.memory_space<vmem>>
    %dma_wait3A_457 = tpu.memref_squeeze %dma_wait3A_456 : memref<1x128xi32, #tpu.memory_space<vmem>> -> memref<128xi32, #tpu.memory_space<vmem>>
    %dma_wait3A_458 = arith.constant 0 : i32
    %dma_wait3A_459 = arith.constant 0 : i32
    %dma_wait3A_460 = tpu.memref_slice %arg7[%dma_wait3A_458, %dma_wait3A_459] : memref<100000x32xf32, #tpu.memory_space<hbm>> -> memref<100000x32xf32, #tpu.memory_space<hbm>>
    tpu.wait_indirect_dma semaphore(%arg24 : memref<!tpu.dma_semaphore, #tpu.memory_space<semaphore_mem>>) src(%dma_wait3A_460 : memref<100000x32xf32, #tpu.memory_space<hbm>>) dst(%dma_wait3A_454 : memref<128x32xf32, #tpu.memory_space<vmem>>)
    %dma_wait3A_461 = arith.constant 2 : i32
    %dma_wait3A_462 = arith.constant 256 : i32
    %dma_wait3A_463 = tpu.memref_slice %arg17[%dma_wait3A_462] : memref<512xf32, #tpu.memory_space<vmem>> -> memref<128xf32, #tpu.memory_space<vmem>>
    %dma_wait3A_464 = arith.constant 0 : i32
    %dma_wait3A_465 = tpu.memref_slice %arg12[%dma_wait3A_461, %dma_wait3A_464] : memref<4x128xi32, #tpu.memory_space<vmem>> -> memref<1x128xi32, #tpu.memory_space<vmem>>
    %dma_wait3A_466 = tpu.memref_squeeze %dma_wait3A_465 : memref<1x128xi32, #tpu.memory_space<vmem>> -> memref<128xi32, #tpu.memory_space<vmem>>
    %dma_wait3A_467 = arith.constant 0 : i32
    %dma_wait3A_468 = tpu.memref_slice %arg8[%dma_wait3A_467] : memref<100000xf32, #tpu.memory_space<hbm>> -> memref<100000xf32, #tpu.memory_space<hbm>>
    tpu.wait_indirect_dma semaphore(%arg24 : memref<!tpu.dma_semaphore, #tpu.memory_space<semaphore_mem>>) src(%dma_wait3A_468 : memref<100000xf32, #tpu.memory_space<hbm>>) dst(%dma_wait3A_463 : memref<128xf32, #tpu.memory_space<vmem>>)
    %dma_wait3A_469 = arith.constant 2 : i32
    %dma_wait3A_470 = arith.constant 256 : i32
    %dma_wait3A_471 = tpu.memref_slice %arg18[%dma_wait3A_470] : memref<512xf32, #tpu.memory_space<vmem>> -> memref<128xf32, #tpu.memory_space<vmem>>
    %dma_wait3A_472 = arith.constant 0 : i32
    %dma_wait3A_473 = tpu.memref_slice %arg13[%dma_wait3A_469, %dma_wait3A_472] : memref<4x128xi32, #tpu.memory_space<vmem>> -> memref<1x128xi32, #tpu.memory_space<vmem>>
    %dma_wait3A_474 = tpu.memref_squeeze %dma_wait3A_473 : memref<1x128xi32, #tpu.memory_space<vmem>> -> memref<128xi32, #tpu.memory_space<vmem>>
    %dma_wait3A_475 = arith.constant 0 : i32
    %dma_wait3A_476 = tpu.memref_slice %arg9[%dma_wait3A_475] : memref<100000xf32, #tpu.memory_space<hbm>> -> memref<100000xf32, #tpu.memory_space<hbm>>
    tpu.wait_indirect_dma semaphore(%arg24 : memref<!tpu.dma_semaphore, #tpu.memory_space<semaphore_mem>>) src(%dma_wait3A_476 : memref<100000xf32, #tpu.memory_space<hbm>>) dst(%dma_wait3A_471 : memref<128xf32, #tpu.memory_space<vmem>>)
    %dma_wait3A_477 = arith.constant 3 : i32
    %dma_wait3A_478 = arith.constant 384 : i32
    %dma_wait3A_479 = arith.constant 0 : i32
    %dma_wait3A_480 = tpu.memref_slice %arg15[%dma_wait3A_478, %dma_wait3A_479] : memref<512x32xf32, #tpu.memory_space<vmem>> -> memref<128x32xf32, #tpu.memory_space<vmem>>
    %dma_wait3A_481 = arith.constant 0 : i32
    %dma_wait3A_482 = tpu.memref_slice %arg12[%dma_wait3A_477, %dma_wait3A_481] : memref<4x128xi32, #tpu.memory_space<vmem>> -> memref<1x128xi32, #tpu.memory_space<vmem>>
    %dma_wait3A_483 = tpu.memref_squeeze %dma_wait3A_482 : memref<1x128xi32, #tpu.memory_space<vmem>> -> memref<128xi32, #tpu.memory_space<vmem>>
    %dma_wait3A_484 = arith.constant 0 : i32
    %dma_wait3A_485 = arith.constant 0 : i32
    %dma_wait3A_486 = tpu.memref_slice %arg6[%dma_wait3A_484, %dma_wait3A_485] : memref<100000x32xf32, #tpu.memory_space<hbm>> -> memref<100000x32xf32, #tpu.memory_space<hbm>>
    tpu.wait_indirect_dma semaphore(%arg24 : memref<!tpu.dma_semaphore, #tpu.memory_space<semaphore_mem>>) src(%dma_wait3A_486 : memref<100000x32xf32, #tpu.memory_space<hbm>>) dst(%dma_wait3A_480 : memref<128x32xf32, #tpu.memory_space<vmem>>)
    %dma_wait3A_487 = arith.constant 3 : i32
    %dma_wait3A_488 = arith.constant 384 : i32
    %dma_wait3A_489 = arith.constant 0 : i32
    %dma_wait3A_490 = tpu.memref_slice %arg16[%dma_wait3A_488, %dma_wait3A_489] : memref<512x32xf32, #tpu.memory_space<vmem>> -> memref<128x32xf32, #tpu.memory_space<vmem>>
    %dma_wait3A_491 = arith.constant 0 : i32
    %dma_wait3A_492 = tpu.memref_slice %arg13[%dma_wait3A_487, %dma_wait3A_491] : memref<4x128xi32, #tpu.memory_space<vmem>> -> memref<1x128xi32, #tpu.memory_space<vmem>>
    %dma_wait3A_493 = tpu.memref_squeeze %dma_wait3A_492 : memref<1x128xi32, #tpu.memory_space<vmem>> -> memref<128xi32, #tpu.memory_space<vmem>>
    %dma_wait3A_494 = arith.constant 0 : i32
    %dma_wait3A_495 = arith.constant 0 : i32
    %dma_wait3A_496 = tpu.memref_slice %arg7[%dma_wait3A_494, %dma_wait3A_495] : memref<100000x32xf32, #tpu.memory_space<hbm>> -> memref<100000x32xf32, #tpu.memory_space<hbm>>
    tpu.wait_indirect_dma semaphore(%arg24 : memref<!tpu.dma_semaphore, #tpu.memory_space<semaphore_mem>>) src(%dma_wait3A_496 : memref<100000x32xf32, #tpu.memory_space<hbm>>) dst(%dma_wait3A_490 : memref<128x32xf32, #tpu.memory_space<vmem>>)
    %dma_wait3A_497 = arith.constant 3 : i32
    %dma_wait3A_498 = arith.constant 384 : i32
    %dma_wait3A_499 = tpu.memref_slice %arg17[%dma_wait3A_498] : memref<512xf32, #tpu.memory_space<vmem>> -> memref<128xf32, #tpu.memory_space<vmem>>
    %dma_wait3A_500 = arith.constant 0 : i32
    %dma_wait3A_501 = tpu.memref_slice %arg12[%dma_wait3A_497, %dma_wait3A_500] : memref<4x128xi32, #tpu.memory_space<vmem>> -> memref<1x128xi32, #tpu.memory_space<vmem>>
    %dma_wait3A_502 = tpu.memref_squeeze %dma_wait3A_501 : memref<1x128xi32, #tpu.memory_space<vmem>> -> memref<128xi32, #tpu.memory_space<vmem>>
    %dma_wait3A_503 = arith.constant 0 : i32
    %dma_wait3A_504 = tpu.memref_slice %arg8[%dma_wait3A_503] : memref<100000xf32, #tpu.memory_space<hbm>> -> memref<100000xf32, #tpu.memory_space<hbm>>
    tpu.wait_indirect_dma semaphore(%arg24 : memref<!tpu.dma_semaphore, #tpu.memory_space<semaphore_mem>>) src(%dma_wait3A_504 : memref<100000xf32, #tpu.memory_space<hbm>>) dst(%dma_wait3A_499 : memref<128xf32, #tpu.memory_space<vmem>>)
    %dma_wait3A_505 = arith.constant 3 : i32
    %dma_wait3A_506 = arith.constant 384 : i32
    %dma_wait3A_507 = tpu.memref_slice %arg18[%dma_wait3A_506] : memref<512xf32, #tpu.memory_space<vmem>> -> memref<128xf32, #tpu.memory_space<vmem>>
    %dma_wait3A_508 = arith.constant 0 : i32
    %dma_wait3A_509 = tpu.memref_slice %arg13[%dma_wait3A_505, %dma_wait3A_508] : memref<4x128xi32, #tpu.memory_space<vmem>> -> memref<1x128xi32, #tpu.memory_space<vmem>>
    %dma_wait3A_510 = tpu.memref_squeeze %dma_wait3A_509 : memref<1x128xi32, #tpu.memory_space<vmem>> -> memref<128xi32, #tpu.memory_space<vmem>>
    %dma_wait3A_511 = arith.constant 0 : i32
    %dma_wait3A_512 = tpu.memref_slice %arg9[%dma_wait3A_511] : memref<100000xf32, #tpu.memory_space<hbm>> -> memref<100000xf32, #tpu.memory_space<hbm>>
    tpu.wait_indirect_dma semaphore(%arg24 : memref<!tpu.dma_semaphore, #tpu.memory_space<semaphore_mem>>) src(%dma_wait3A_512 : memref<100000xf32, #tpu.memory_space<hbm>>) dst(%dma_wait3A_507 : memref<128xf32, #tpu.memory_space<vmem>>)
    %iota3A = tpu.iota {dimensions = array<i32: 0>} : vector<16xi32>
    %mul3A_513 = arith.constant 16 : i32
    %mul3A_514 = vector.broadcast %mul3A_513 : i32 to vector<16xi32>
    %mul3A_515 = arith.muli %iota3A, %mul3A_514 : vector<16xi32>
    %broadcast_in_dim3A = arith.constant 0.000000e+00 : f32
    %broadcast_in_dim3A_516 = vector.broadcast %broadcast_in_dim3A : f32 to vector<16xf32>
    %scan3A = arith.constant 0 : i32
    %scan3A_517 = arith.constant 32 : i32
    %scan3A_518 = arith.addi %scan3A, %scan3A_517 : i32
    %scan3A_519 = arith.constant 1 : i32
    %scan3A_520 = scf.for %scan3A_528 = %scan3A to %scan3A_518 step %scan3A_519 iter_args(%scan3A_529 = %broadcast_in_dim3A_516) -> (vector<16xf32>)  : i32 {
      %mul3A_530 = arith.constant 16 : i32
      %mul3A_531 = arith.muli %scan3A_528, %mul3A_530 : i32
      %add3A_532 = arith.constant 0 : i32
      %add3A_533 = arith.addi %mul3A_531, %add3A_532 : i32
      %get3A = arith.index_cast %add3A_533 : i32 to index
      %get3A_534 = arith.constant 0 : index
      %get3A_535 = tpu.vector_load %arg15[%get3A, %get3A_534] {strides = array<i32>} : memref<512x32xf32, #tpu.memory_space<vmem>>, vector<16xf32>,
      %get3A_536 = arith.index_cast %add3A_533 : i32 to index
      %get3A_537 = arith.constant 0 : index
      %get3A_538 = tpu.vector_load %arg16[%get3A_536, %get3A_537] {strides = array<i32>} : memref<512x32xf32, #tpu.memory_space<vmem>>, vector<16xf32>,
      %mul3A_539 = arith.mulf %get3A_535, %get3A_538 : vector<16xf32>
      %get3A_540 = arith.index_cast %add3A_533 : i32 to index
      %get3A_541 = arith.constant 16 : index
      %get3A_542 = tpu.vector_load %arg15[%get3A_540, %get3A_541] {strides = array<i32>} : memref<512x32xf32, #tpu.memory_space<vmem>>, vector<16xf32>,
      %get3A_543 = arith.index_cast %add3A_533 : i32 to index
      %get3A_544 = arith.constant 16 : index
      %get3A_545 = tpu.vector_load %arg16[%get3A_543, %get3A_544] {strides = array<i32>} : memref<512x32xf32, #tpu.memory_space<vmem>>, vector<16xf32>,
      %mul3A_546 = arith.mulf %get3A_542, %get3A_545 : vector<16xf32>
      %add3A_547 = arith.addf %mul3A_539, %mul3A_546 : vector<16xf32>
      %swap3A_548 = arith.constant 0 : index
      %swap3A_549 = tpu.vector_load %arg19[%swap3A_548] {strides = array<i32>} : memref<256xf32, #tpu.memory_space<vmem>>, vector<16xf32>,
      tpu.vector_store %arg19[%swap3A_548], %add3A_547 {strides = array<i32>} : memref<256xf32, #tpu.memory_space<vmem>>, vector<16xf32>,
      %add3A_550 = arith.constant 1 : i32
      %add3A_551 = arith.addi %mul3A_531, %add3A_550 : i32
      %get3A_552 = arith.index_cast %add3A_551 : i32 to index
      %get3A_553 = arith.constant 0 : index
      %get3A_554 = tpu.vector_load %arg15[%get3A_552, %get3A_553] {strides = array<i32>} : memref<512x32xf32, #tpu.memory_space<vmem>>, vector<16xf32>,
      %get3A_555 = arith.index_cast %add3A_551 : i32 to index
      %get3A_556 = arith.constant 0 : index
      %get3A_557 = tpu.vector_load %arg16[%get3A_555, %get3A_556] {strides = array<i32>} : memref<512x32xf32, #tpu.memory_space<vmem>>, vector<16xf32>,
      %mul3A_558 = arith.mulf %get3A_554, %get3A_557 : vector<16xf32>
      %get3A_559 = arith.index_cast %add3A_551 : i32 to index
      %get3A_560 = arith.constant 16 : index
      %get3A_561 = tpu.vector_load %arg15[%get3A_559, %get3A_560] {strides = array<i32>} : memref<512x32xf32, #tpu.memory_space<vmem>>, vector<16xf32>,
      %get3A_562 = arith.index_cast %add3A_551 : i32 to index
      %get3A_563 = arith.constant 16 : index
      %get3A_564 = tpu.vector_load %arg16[%get3A_562, %get3A_563] {strides = array<i32>} : memref<512x32xf32, #tpu.memory_space<vmem>>, vector<16xf32>,
      %mul3A_565 = arith.mulf %get3A_561, %get3A_564 : vector<16xf32>
      %add3A_566 = arith.addf %mul3A_558, %mul3A_565 : vector<16xf32>
      %swap3A_567 = arith.constant 16 : index
      %swap3A_568 = tpu.vector_load %arg19[%swap3A_567] {strides = array<i32>} : memref<256xf32, #tpu.memory_space<vmem>>, vector<16xf32>,
      tpu.vector_store %arg19[%swap3A_567], %add3A_566 {strides = array<i32>} : memref<256xf32, #tpu.memory_space<vmem>>, vector<16xf32>,
      %add3A_569 = arith.constant 2 : i32
      %add3A_570 = arith.addi %mul3A_531, %add3A_569 : i32
      %get3A_571 = arith.index_cast %add3A_570 : i32 to index
      %get3A_572 = arith.constant 0 : index
      %get3A_573 = tpu.vector_load %arg15[%get3A_571, %get3A_572] {strides = array<i32>} : memref<512x32xf32, #tpu.memory_space<vmem>>, vector<16xf32>,
      %get3A_574 = arith.index_cast %add3A_570 : i32 to index
      %get3A_575 = arith.constant 0 : index
      %get3A_576 = tpu.vector_load %arg16[%get3A_574, %get3A_575] {strides = array<i32>} : memref<512x32xf32, #tpu.memory_space<vmem>>, vector<16xf32>,
      %mul3A_577 = arith.mulf %get3A_573, %get3A_576 : vector<16xf32>
      %get3A_578 = arith.index_cast %add3A_570 : i32 to index
      %get3A_579 = arith.constant 16 : index
      %get3A_580 = tpu.vector_load %arg15[%get3A_578, %get3A_579] {strides = array<i32>} : memref<512x32xf32, #tpu.memory_space<vmem>>, vector<16xf32>,
      %get3A_581 = arith.index_cast %add3A_570 : i32 to index
      %get3A_582 = arith.constant 16 : index
      %get3A_583 = tpu.vector_load %arg16[%get3A_581, %get3A_582] {strides = array<i32>} : memref<512x32xf32, #tpu.memory_space<vmem>>, vector<16xf32>,
      %mul3A_584 = arith.mulf %get3A_580, %get3A_583 : vector<16xf32>
      %add3A_585 = arith.addf %mul3A_577, %mul3A_584 : vector<16xf32>
      %swap3A_586 = arith.constant 32 : index
      %swap3A_587 = tpu.vector_load %arg19[%swap3A_586] {strides = array<i32>} : memref<256xf32, #tpu.memory_space<vmem>>, vector<16xf32>,
      tpu.vector_store %arg19[%swap3A_586], %add3A_585 {strides = array<i32>} : memref<256xf32, #tpu.memory_space<vmem>>, vector<16xf32>,
      %add3A_588 = arith.constant 3 : i32
      %add3A_589 = arith.addi %mul3A_531, %add3A_588 : i32
      %get3A_590 = arith.index_cast %add3A_589 : i32 to index
      %get3A_591 = arith.constant 0 : index
      %get3A_592 = tpu.vector_load %arg15[%get3A_590, %get3A_591] {strides = array<i32>} : memref<512x32xf32, #tpu.memory_space<vmem>>, vector<16xf32>,
      %get3A_593 = arith.index_cast %add3A_589 : i32 to index
      %get3A_594 = arith.constant 0 : index
      %get3A_595 = tpu.vector_load %arg16[%get3A_593, %get3A_594] {strides = array<i32>} : memref<512x32xf32, #tpu.memory_space<vmem>>, vector<16xf32>,
      %mul3A_596 = arith.mulf %get3A_592, %get3A_595 : vector<16xf32>
      %get3A_597 = arith.index_cast %add3A_589 : i32 to index
      %get3A_598 = arith.constant 16 : index
      %get3A_599 = tpu.vector_load %arg15[%get3A_597, %get3A_598] {strides = array<i32>} : memref<512x32xf32, #tpu.memory_space<vmem>>, vector<16xf32>,
      %get3A_600 = arith.index_cast %add3A_589 : i32 to index
      %get3A_601 = arith.constant 16 : index
      %get3A_602 = tpu.vector_load %arg16[%get3A_600, %get3A_601] {strides = array<i32>} : memref<512x32xf32, #tpu.memory_space<vmem>>, vector<16xf32>,
      %mul3A_603 = arith.mulf %get3A_599, %get3A_602 : vector<16xf32>
      %add3A_604 = arith.addf %mul3A_596, %mul3A_603 : vector<16xf32>
      %swap3A_605 = arith.constant 48 : index
      %swap3A_606 = tpu.vector_load %arg19[%swap3A_605] {strides = array<i32>} : memref<256xf32, #tpu.memory_space<vmem>>, vector<16xf32>,
      tpu.vector_store %arg19[%swap3A_605], %add3A_604 {strides = array<i32>} : memref<256xf32, #tpu.memory_space<vmem>>, vector<16xf32>,
      %add3A_607 = arith.constant 4 : i32
      %add3A_608 = arith.addi %mul3A_531, %add3A_607 : i32
      %get3A_609 = arith.index_cast %add3A_608 : i32 to index
      %get3A_610 = arith.constant 0 : index
      %get3A_611 = tpu.vector_load %arg15[%get3A_609, %get3A_610] {strides = array<i32>} : memref<512x32xf32, #tpu.memory_space<vmem>>, vector<16xf32>,
      %get3A_612 = arith.index_cast %add3A_608 : i32 to index
      %get3A_613 = arith.constant 0 : index
      %get3A_614 = tpu.vector_load %arg16[%get3A_612, %get3A_613] {strides = array<i32>} : memref<512x32xf32, #tpu.memory_space<vmem>>, vector<16xf32>,
      %mul3A_615 = arith.mulf %get3A_611, %get3A_614 : vector<16xf32>
      %get3A_616 = arith.index_cast %add3A_608 : i32 to index
      %get3A_617 = arith.constant 16 : index
      %get3A_618 = tpu.vector_load %arg15[%get3A_616, %get3A_617] {strides = array<i32>} : memref<512x32xf32, #tpu.memory_space<vmem>>, vector<16xf32>,
      %get3A_619 = arith.index_cast %add3A_608 : i32 to index
      %get3A_620 = arith.constant 16 : index
      %get3A_621 = tpu.vector_load %arg16[%get3A_619, %get3A_620] {strides = array<i32>} : memref<512x32xf32, #tpu.memory_space<vmem>>, vector<16xf32>,
      %mul3A_622 = arith.mulf %get3A_618, %get3A_621 : vector<16xf32>
      %add3A_623 = arith.addf %mul3A_615, %mul3A_622 : vector<16xf32>
      %swap3A_624 = arith.constant 64 : index
      %swap3A_625 = tpu.vector_load %arg19[%swap3A_624] {strides = array<i32>} : memref<256xf32, #tpu.memory_space<vmem>>, vector<16xf32>,
      tpu.vector_store %arg19[%swap3A_624], %add3A_623 {strides = array<i32>} : memref<256xf32, #tpu.memory_space<vmem>>, vector<16xf32>,
      %add3A_626 = arith.constant 5 : i32
      %add3A_627 = arith.addi %mul3A_531, %add3A_626 : i32
      %get3A_628 = arith.index_cast %add3A_627 : i32 to index
      %get3A_629 = arith.constant 0 : index
      %get3A_630 = tpu.vector_load %arg15[%get3A_628, %get3A_629] {strides = array<i32>} : memref<512x32xf32, #tpu.memory_space<vmem>>, vector<16xf32>,
      %get3A_631 = arith.index_cast %add3A_627 : i32 to index
      %get3A_632 = arith.constant 0 : index
      %get3A_633 = tpu.vector_load %arg16[%get3A_631, %get3A_632] {strides = array<i32>} : memref<512x32xf32, #tpu.memory_space<vmem>>, vector<16xf32>,
      %mul3A_634 = arith.mulf %get3A_630, %get3A_633 : vector<16xf32>
      %get3A_635 = arith.index_cast %add3A_627 : i32 to index
      %get3A_636 = arith.constant 16 : index
      %get3A_637 = tpu.vector_load %arg15[%get3A_635, %get3A_636] {strides = array<i32>} : memref<512x32xf32, #tpu.memory_space<vmem>>, vector<16xf32>,
      %get3A_638 = arith.index_cast %add3A_627 : i32 to index
      %get3A_639 = arith.constant 16 : index
      %get3A_640 = tpu.vector_load %arg16[%get3A_638, %get3A_639] {strides = array<i32>} : memref<512x32xf32, #tpu.memory_space<vmem>>, vector<16xf32>,
      %mul3A_641 = arith.mulf %get3A_637, %get3A_640 : vector<16xf32>
      %add3A_642 = arith.addf %mul3A_634, %mul3A_641 : vector<16xf32>
      %swap3A_643 = arith.constant 80 : index
      %swap3A_644 = tpu.vector_load %arg19[%swap3A_643] {strides = array<i32>} : memref<256xf32, #tpu.memory_space<vmem>>, vector<16xf32>,
      tpu.vector_store %arg19[%swap3A_643], %add3A_642 {strides = array<i32>} : memref<256xf32, #tpu.memory_space<vmem>>, vector<16xf32>,
      %add3A_645 = arith.constant 6 : i32
      %add3A_646 = arith.addi %mul3A_531, %add3A_645 : i32
      %get3A_647 = arith.index_cast %add3A_646 : i32 to index
      %get3A_648 = arith.constant 0 : index
      %get3A_649 = tpu.vector_load %arg15[%get3A_647, %get3A_648] {strides = array<i32>} : memref<512x32xf32, #tpu.memory_space<vmem>>, vector<16xf32>,
      %get3A_650 = arith.index_cast %add3A_646 : i32 to index
      %get3A_651 = arith.constant 0 : index
      %get3A_652 = tpu.vector_load %arg16[%get3A_650, %get3A_651] {strides = array<i32>} : memref<512x32xf32, #tpu.memory_space<vmem>>, vector<16xf32>,
      %mul3A_653 = arith.mulf %get3A_649, %get3A_652 : vector<16xf32>
      %get3A_654 = arith.index_cast %add3A_646 : i32 to index
      %get3A_655 = arith.constant 16 : index
      %get3A_656 = tpu.vector_load %arg15[%get3A_654, %get3A_655] {strides = array<i32>} : memref<512x32xf32, #tpu.memory_space<vmem>>, vector<16xf32>,
      %get3A_657 = arith.index_cast %add3A_646 : i32 to index
      %get3A_658 = arith.constant 16 : index
      %get3A_659 = tpu.vector_load %arg16[%get3A_657, %get3A_658] {strides = array<i32>} : memref<512x32xf32, #tpu.memory_space<vmem>>, vector<16xf32>,
      %mul3A_660 = arith.mulf %get3A_656, %get3A_659 : vector<16xf32>
      %add3A_661 = arith.addf %mul3A_653, %mul3A_660 : vector<16xf32>
      %swap3A_662 = arith.constant 96 : index
      %swap3A_663 = tpu.vector_load %arg19[%swap3A_662] {strides = array<i32>} : memref<256xf32, #tpu.memory_space<vmem>>, vector<16xf32>,
      tpu.vector_store %arg19[%swap3A_662], %add3A_661 {strides = array<i32>} : memref<256xf32, #tpu.memory_space<vmem>>, vector<16xf32>,
      %add3A_664 = arith.constant 7 : i32
      %add3A_665 = arith.addi %mul3A_531, %add3A_664 : i32
      %get3A_666 = arith.index_cast %add3A_665 : i32 to index
      %get3A_667 = arith.constant 0 : index
      %get3A_668 = tpu.vector_load %arg15[%get3A_666, %get3A_667] {strides = array<i32>} : memref<512x32xf32, #tpu.memory_space<vmem>>, vector<16xf32>,
      %get3A_669 = arith.index_cast %add3A_665 : i32 to index
      %get3A_670 = arith.constant 0 : index
      %get3A_671 = tpu.vector_load %arg16[%get3A_669, %get3A_670] {strides = array<i32>} : memref<512x32xf32, #tpu.memory_space<vmem>>, vector<16xf32>,
      %mul3A_672 = arith.mulf %get3A_668, %get3A_671 : vector<16xf32>
      %get3A_673 = arith.index_cast %add3A_665 : i32 to index
      %get3A_674 = arith.constant 16 : index
      %get3A_675 = tpu.vector_load %arg15[%get3A_673, %get3A_674] {strides = array<i32>} : memref<512x32xf32, #tpu.memory_space<vmem>>, vector<16xf32>,
      %get3A_676 = arith.index_cast %add3A_665 : i32 to index
      %get3A_677 = arith.constant 16 : index
      %get3A_678 = tpu.vector_load %arg16[%get3A_676, %get3A_677] {strides = array<i32>} : memref<512x32xf32, #tpu.memory_space<vmem>>, vector<16xf32>,
      %mul3A_679 = arith.mulf %get3A_675, %get3A_678 : vector<16xf32>
      %add3A_680 = arith.addf %mul3A_672, %mul3A_679 : vector<16xf32>
      %swap3A_681 = arith.constant 112 : index
      %swap3A_682 = tpu.vector_load %arg19[%swap3A_681] {strides = array<i32>} : memref<256xf32, #tpu.memory_space<vmem>>, vector<16xf32>,
      tpu.vector_store %arg19[%swap3A_681], %add3A_680 {strides = array<i32>} : memref<256xf32, #tpu.memory_space<vmem>>, vector<16xf32>,
      %add3A_683 = arith.constant 8 : i32
      %add3A_684 = arith.addi %mul3A_531, %add3A_683 : i32
      %get3A_685 = arith.index_cast %add3A_684 : i32 to index
      %get3A_686 = arith.constant 0 : index
      %get3A_687 = tpu.vector_load %arg15[%get3A_685, %get3A_686] {strides = array<i32>} : memref<512x32xf32, #tpu.memory_space<vmem>>, vector<16xf32>,
      %get3A_688 = arith.index_cast %add3A_684 : i32 to index
      %get3A_689 = arith.constant 0 : index
      %get3A_690 = tpu.vector_load %arg16[%get3A_688, %get3A_689] {strides = array<i32>} : memref<512x32xf32, #tpu.memory_space<vmem>>, vector<16xf32>,
      %mul3A_691 = arith.mulf %get3A_687, %get3A_690 : vector<16xf32>
      %get3A_692 = arith.index_cast %add3A_684 : i32 to index
      %get3A_693 = arith.constant 16 : index
      %get3A_694 = tpu.vector_load %arg15[%get3A_692, %get3A_693] {strides = array<i32>} : memref<512x32xf32, #tpu.memory_space<vmem>>, vector<16xf32>,
      %get3A_695 = arith.index_cast %add3A_684 : i32 to index
      %get3A_696 = arith.constant 16 : index
      %get3A_697 = tpu.vector_load %arg16[%get3A_695, %get3A_696] {strides = array<i32>} : memref<512x32xf32, #tpu.memory_space<vmem>>, vector<16xf32>,
      %mul3A_698 = arith.mulf %get3A_694, %get3A_697 : vector<16xf32>
      %add3A_699 = arith.addf %mul3A_691, %mul3A_698 : vector<16xf32>
      %swap3A_700 = arith.constant 128 : index
      %swap3A_701 = tpu.vector_load %arg19[%swap3A_700] {strides = array<i32>} : memref<256xf32, #tpu.memory_space<vmem>>, vector<16xf32>,
      tpu.vector_store %arg19[%swap3A_700], %add3A_699 {strides = array<i32>} : memref<256xf32, #tpu.memory_space<vmem>>, vector<16xf32>,
      %add3A_702 = arith.constant 9 : i32
      %add3A_703 = arith.addi %mul3A_531, %add3A_702 : i32
      %get3A_704 = arith.index_cast %add3A_703 : i32 to index
      %get3A_705 = arith.constant 0 : index
      %get3A_706 = tpu.vector_load %arg15[%get3A_704, %get3A_705] {strides = array<i32>} : memref<512x32xf32, #tpu.memory_space<vmem>>, vector<16xf32>,
      %get3A_707 = arith.index_cast %add3A_703 : i32 to index
      %get3A_708 = arith.constant 0 : index
      %get3A_709 = tpu.vector_load %arg16[%get3A_707, %get3A_708] {strides = array<i32>} : memref<512x32xf32, #tpu.memory_space<vmem>>, vector<16xf32>,
      %mul3A_710 = arith.mulf %get3A_706, %get3A_709 : vector<16xf32>
      %get3A_711 = arith.index_cast %add3A_703 : i32 to index
      %get3A_712 = arith.constant 16 : index
      %get3A_713 = tpu.vector_load %arg15[%get3A_711, %get3A_712] {strides = array<i32>} : memref<512x32xf32, #tpu.memory_space<vmem>>, vector<16xf32>,
      %get3A_714 = arith.index_cast %add3A_703 : i32 to index
      %get3A_715 = arith.constant 16 : index
      %get3A_716 = tpu.vector_load %arg16[%get3A_714, %get3A_715] {strides = array<i32>} : memref<512x32xf32, #tpu.memory_space<vmem>>, vector<16xf32>,
      %mul3A_717 = arith.mulf %get3A_713, %get3A_716 : vector<16xf32>
      %add3A_718 = arith.addf %mul3A_710, %mul3A_717 : vector<16xf32>
      %swap3A_719 = arith.constant 144 : index
      %swap3A_720 = tpu.vector_load %arg19[%swap3A_719] {strides = array<i32>} : memref<256xf32, #tpu.memory_space<vmem>>, vector<16xf32>,
      tpu.vector_store %arg19[%swap3A_719], %add3A_718 {strides = array<i32>} : memref<256xf32, #tpu.memory_space<vmem>>, vector<16xf32>,
      %add3A_721 = arith.constant 10 : i32
      %add3A_722 = arith.addi %mul3A_531, %add3A_721 : i32
      %get3A_723 = arith.index_cast %add3A_722 : i32 to index
      %get3A_724 = arith.constant 0 : index
      %get3A_725 = tpu.vector_load %arg15[%get3A_723, %get3A_724] {strides = array<i32>} : memref<512x32xf32, #tpu.memory_space<vmem>>, vector<16xf32>,
      %get3A_726 = arith.index_cast %add3A_722 : i32 to index
      %get3A_727 = arith.constant 0 : index
      %get3A_728 = tpu.vector_load %arg16[%get3A_726, %get3A_727] {strides = array<i32>} : memref<512x32xf32, #tpu.memory_space<vmem>>, vector<16xf32>,
      %mul3A_729 = arith.mulf %get3A_725, %get3A_728 : vector<16xf32>
      %get3A_730 = arith.index_cast %add3A_722 : i32 to index
      %get3A_731 = arith.constant 16 : index
      %get3A_732 = tpu.vector_load %arg15[%get3A_730, %get3A_731] {strides = array<i32>} : memref<512x32xf32, #tpu.memory_space<vmem>>, vector<16xf32>,
      %get3A_733 = arith.index_cast %add3A_722 : i32 to index
      %get3A_734 = arith.constant 16 : index
      %get3A_735 = tpu.vector_load %arg16[%get3A_733, %get3A_734] {strides = array<i32>} : memref<512x32xf32, #tpu.memory_space<vmem>>, vector<16xf32>,
      %mul3A_736 = arith.mulf %get3A_732, %get3A_735 : vector<16xf32>
      %add3A_737 = arith.addf %mul3A_729, %mul3A_736 : vector<16xf32>
      %swap3A_738 = arith.constant 160 : index
      %swap3A_739 = tpu.vector_load %arg19[%swap3A_738] {strides = array<i32>} : memref<256xf32, #tpu.memory_space<vmem>>, vector<16xf32>,
      tpu.vector_store %arg19[%swap3A_738], %add3A_737 {strides = array<i32>} : memref<256xf32, #tpu.memory_space<vmem>>, vector<16xf32>,
      %add3A_740 = arith.constant 11 : i32
      %add3A_741 = arith.addi %mul3A_531, %add3A_740 : i32
      %get3A_742 = arith.index_cast %add3A_741 : i32 to index
      %get3A_743 = arith.constant 0 : index
      %get3A_744 = tpu.vector_load %arg15[%get3A_742, %get3A_743] {strides = array<i32>} : memref<512x32xf32, #tpu.memory_space<vmem>>, vector<16xf32>,
      %get3A_745 = arith.index_cast %add3A_741 : i32 to index
      %get3A_746 = arith.constant 0 : index
      %get3A_747 = tpu.vector_load %arg16[%get3A_745, %get3A_746] {strides = array<i32>} : memref<512x32xf32, #tpu.memory_space<vmem>>, vector<16xf32>,
      %mul3A_748 = arith.mulf %get3A_744, %get3A_747 : vector<16xf32>
      %get3A_749 = arith.index_cast %add3A_741 : i32 to index
      %get3A_750 = arith.constant 16 : index
      %get3A_751 = tpu.vector_load %arg15[%get3A_749, %get3A_750] {strides = array<i32>} : memref<512x32xf32, #tpu.memory_space<vmem>>, vector<16xf32>,
      %get3A_752 = arith.index_cast %add3A_741 : i32 to index
      %get3A_753 = arith.constant 16 : index
      %get3A_754 = tpu.vector_load %arg16[%get3A_752, %get3A_753] {strides = array<i32>} : memref<512x32xf32, #tpu.memory_space<vmem>>, vector<16xf32>,
      %mul3A_755 = arith.mulf %get3A_751, %get3A_754 : vector<16xf32>
      %add3A_756 = arith.addf %mul3A_748, %mul3A_755 : vector<16xf32>
      %swap3A_757 = arith.constant 176 : index
      %swap3A_758 = tpu.vector_load %arg19[%swap3A_757] {strides = array<i32>} : memref<256xf32, #tpu.memory_space<vmem>>, vector<16xf32>,
      tpu.vector_store %arg19[%swap3A_757], %add3A_756 {strides = array<i32>} : memref<256xf32, #tpu.memory_space<vmem>>, vector<16xf32>,
      %add3A_759 = arith.constant 12 : i32
      %add3A_760 = arith.addi %mul3A_531, %add3A_759 : i32
      %get3A_761 = arith.index_cast %add3A_760 : i32 to index
      %get3A_762 = arith.constant 0 : index
      %get3A_763 = tpu.vector_load %arg15[%get3A_761, %get3A_762] {strides = array<i32>} : memref<512x32xf32, #tpu.memory_space<vmem>>, vector<16xf32>,
      %get3A_764 = arith.index_cast %add3A_760 : i32 to index
      %get3A_765 = arith.constant 0 : index
      %get3A_766 = tpu.vector_load %arg16[%get3A_764, %get3A_765] {strides = array<i32>} : memref<512x32xf32, #tpu.memory_space<vmem>>, vector<16xf32>,
      %mul3A_767 = arith.mulf %get3A_763, %get3A_766 : vector<16xf32>
      %get3A_768 = arith.index_cast %add3A_760 : i32 to index
      %get3A_769 = arith.constant 16 : index
      %get3A_770 = tpu.vector_load %arg15[%get3A_768, %get3A_769] {strides = array<i32>} : memref<512x32xf32, #tpu.memory_space<vmem>>, vector<16xf32>,
      %get3A_771 = arith.index_cast %add3A_760 : i32 to index
      %get3A_772 = arith.constant 16 : index
      %get3A_773 = tpu.vector_load %arg16[%get3A_771, %get3A_772] {strides = array<i32>} : memref<512x32xf32, #tpu.memory_space<vmem>>, vector<16xf32>,
      %mul3A_774 = arith.mulf %get3A_770, %get3A_773 : vector<16xf32>
      %add3A_775 = arith.addf %mul3A_767, %mul3A_774 : vector<16xf32>
      %swap3A_776 = arith.constant 192 : index
      %swap3A_777 = tpu.vector_load %arg19[%swap3A_776] {strides = array<i32>} : memref<256xf32, #tpu.memory_space<vmem>>, vector<16xf32>,
      tpu.vector_store %arg19[%swap3A_776], %add3A_775 {strides = array<i32>} : memref<256xf32, #tpu.memory_space<vmem>>, vector<16xf32>,
      %add3A_778 = arith.constant 13 : i32
      %add3A_779 = arith.addi %mul3A_531, %add3A_778 : i32
      %get3A_780 = arith.index_cast %add3A_779 : i32 to index
      %get3A_781 = arith.constant 0 : index
      %get3A_782 = tpu.vector_load %arg15[%get3A_780, %get3A_781] {strides = array<i32>} : memref<512x32xf32, #tpu.memory_space<vmem>>, vector<16xf32>,
      %get3A_783 = arith.index_cast %add3A_779 : i32 to index
      %get3A_784 = arith.constant 0 : index
      %get3A_785 = tpu.vector_load %arg16[%get3A_783, %get3A_784] {strides = array<i32>} : memref<512x32xf32, #tpu.memory_space<vmem>>, vector<16xf32>,
      %mul3A_786 = arith.mulf %get3A_782, %get3A_785 : vector<16xf32>
      %get3A_787 = arith.index_cast %add3A_779 : i32 to index
      %get3A_788 = arith.constant 16 : index
      %get3A_789 = tpu.vector_load %arg15[%get3A_787, %get3A_788] {strides = array<i32>} : memref<512x32xf32, #tpu.memory_space<vmem>>, vector<16xf32>,
      %get3A_790 = arith.index_cast %add3A_779 : i32 to index
      %get3A_791 = arith.constant 16 : index
      %get3A_792 = tpu.vector_load %arg16[%get3A_790, %get3A_791] {strides = array<i32>} : memref<512x32xf32, #tpu.memory_space<vmem>>, vector<16xf32>,
      %mul3A_793 = arith.mulf %get3A_789, %get3A_792 : vector<16xf32>
      %add3A_794 = arith.addf %mul3A_786, %mul3A_793 : vector<16xf32>
      %swap3A_795 = arith.constant 208 : index
      %swap3A_796 = tpu.vector_load %arg19[%swap3A_795] {strides = array<i32>} : memref<256xf32, #tpu.memory_space<vmem>>, vector<16xf32>,
      tpu.vector_store %arg19[%swap3A_795], %add3A_794 {strides = array<i32>} : memref<256xf32, #tpu.memory_space<vmem>>, vector<16xf32>,
      %add3A_797 = arith.constant 14 : i32
      %add3A_798 = arith.addi %mul3A_531, %add3A_797 : i32
      %get3A_799 = arith.index_cast %add3A_798 : i32 to index
      %get3A_800 = arith.constant 0 : index
      %get3A_801 = tpu.vector_load %arg15[%get3A_799, %get3A_800] {strides = array<i32>} : memref<512x32xf32, #tpu.memory_space<vmem>>, vector<16xf32>,
      %get3A_802 = arith.index_cast %add3A_798 : i32 to index
      %get3A_803 = arith.constant 0 : index
      %get3A_804 = tpu.vector_load %arg16[%get3A_802, %get3A_803] {strides = array<i32>} : memref<512x32xf32, #tpu.memory_space<vmem>>, vector<16xf32>,
      %mul3A_805 = arith.mulf %get3A_801, %get3A_804 : vector<16xf32>
      %get3A_806 = arith.index_cast %add3A_798 : i32 to index
      %get3A_807 = arith.constant 16 : index
      %get3A_808 = tpu.vector_load %arg15[%get3A_806, %get3A_807] {strides = array<i32>} : memref<512x32xf32, #tpu.memory_space<vmem>>, vector<16xf32>,
      %get3A_809 = arith.index_cast %add3A_798 : i32 to index
      %get3A_810 = arith.constant 16 : index
      %get3A_811 = tpu.vector_load %arg16[%get3A_809, %get3A_810] {strides = array<i32>} : memref<512x32xf32, #tpu.memory_space<vmem>>, vector<16xf32>,
      %mul3A_812 = arith.mulf %get3A_808, %get3A_811 : vector<16xf32>
      %add3A_813 = arith.addf %mul3A_805, %mul3A_812 : vector<16xf32>
      %swap3A_814 = arith.constant 224 : index
      %swap3A_815 = tpu.vector_load %arg19[%swap3A_814] {strides = array<i32>} : memref<256xf32, #tpu.memory_space<vmem>>, vector<16xf32>,
      tpu.vector_store %arg19[%swap3A_814], %add3A_813 {strides = array<i32>} : memref<256xf32, #tpu.memory_space<vmem>>, vector<16xf32>,
      %add3A_816 = arith.constant 15 : i32
      %add3A_817 = arith.addi %mul3A_531, %add3A_816 : i32
      %get3A_818 = arith.index_cast %add3A_817 : i32 to index
      %get3A_819 = arith.constant 0 : index
      %get3A_820 = tpu.vector_load %arg15[%get3A_818, %get3A_819] {strides = array<i32>} : memref<512x32xf32, #tpu.memory_space<vmem>>, vector<16xf32>,
      %get3A_821 = arith.index_cast %add3A_817 : i32 to index
      %get3A_822 = arith.constant 0 : index
      %get3A_823 = tpu.vector_load %arg16[%get3A_821, %get3A_822] {strides = array<i32>} : memref<512x32xf32, #tpu.memory_space<vmem>>, vector<16xf32>,
      %mul3A_824 = arith.mulf %get3A_820, %get3A_823 : vector<16xf32>
      %get3A_825 = arith.index_cast %add3A_817 : i32 to index
      %get3A_826 = arith.constant 16 : index
      %get3A_827 = tpu.vector_load %arg15[%get3A_825, %get3A_826] {strides = array<i32>} : memref<512x32xf32, #tpu.memory_space<vmem>>, vector<16xf32>,
      %get3A_828 = arith.index_cast %add3A_817 : i32 to index
      %get3A_829 = arith.constant 16 : index
      %get3A_830 = tpu.vector_load %arg16[%get3A_828, %get3A_829] {strides = array<i32>} : memref<512x32xf32, #tpu.memory_space<vmem>>, vector<16xf32>,
      %mul3A_831 = arith.mulf %get3A_827, %get3A_830 : vector<16xf32>
      %add3A_832 = arith.addf %mul3A_824, %mul3A_831 : vector<16xf32>
      %swap3A_833 = arith.constant 240 : index
      %swap3A_834 = tpu.vector_load %arg19[%swap3A_833] {strides = array<i32>} : memref<256xf32, #tpu.memory_space<vmem>>, vector<16xf32>,
      tpu.vector_store %arg19[%swap3A_833], %add3A_832 {strides = array<i32>} : memref<256xf32, #tpu.memory_space<vmem>>, vector<16xf32>,
      %gather3A = tpu.vector_load_idx %arg19[%mul3A_515] : memref<256xf32, #tpu.memory_space<vmem>>[vector<16xi32>], vector<16xf32>,
      %add3A_835 = arith.constant 1 : i32
      %add3A_836 = vector.broadcast %add3A_835 : i32 to vector<16xi32>
      %add3A_837 = arith.addi %mul3A_515, %add3A_836 : vector<16xi32>
      %gather3A_838 = tpu.vector_load_idx %arg19[%add3A_837] : memref<256xf32, #tpu.memory_space<vmem>>[vector<16xi32>], vector<16xf32>,
      %add3A_839 = arith.addf %gather3A, %gather3A_838 : vector<16xf32>
      %add3A_840 = arith.constant 2 : i32
      %add3A_841 = vector.broadcast %add3A_840 : i32 to vector<16xi32>
      %add3A_842 = arith.addi %mul3A_515, %add3A_841 : vector<16xi32>
      %gather3A_843 = tpu.vector_load_idx %arg19[%add3A_842] : memref<256xf32, #tpu.memory_space<vmem>>[vector<16xi32>], vector<16xf32>,
      %add3A_844 = arith.addf %add3A_839, %gather3A_843 : vector<16xf32>
      %add3A_845 = arith.constant 3 : i32
      %add3A_846 = vector.broadcast %add3A_845 : i32 to vector<16xi32>
      %add3A_847 = arith.addi %mul3A_515, %add3A_846 : vector<16xi32>
      %gather3A_848 = tpu.vector_load_idx %arg19[%add3A_847] : memref<256xf32, #tpu.memory_space<vmem>>[vector<16xi32>], vector<16xf32>,
      %add3A_849 = arith.addf %add3A_844, %gather3A_848 : vector<16xf32>
      %add3A_850 = arith.constant 4 : i32
      %add3A_851 = vector.broadcast %add3A_850 : i32 to vector<16xi32>
      %add3A_852 = arith.addi %mul3A_515, %add3A_851 : vector<16xi32>
      %gather3A_853 = tpu.vector_load_idx %arg19[%add3A_852] : memref<256xf32, #tpu.memory_space<vmem>>[vector<16xi32>], vector<16xf32>,
      %add3A_854 = arith.addf %add3A_849, %gather3A_853 : vector<16xf32>
      %add3A_855 = arith.constant 5 : i32
      %add3A_856 = vector.broadcast %add3A_855 : i32 to vector<16xi32>
      %add3A_857 = arith.addi %mul3A_515, %add3A_856 : vector<16xi32>
      %gather3A_858 = tpu.vector_load_idx %arg19[%add3A_857] : memref<256xf32, #tpu.memory_space<vmem>>[vector<16xi32>], vector<16xf32>,
      %add3A_859 = arith.addf %add3A_854, %gather3A_858 : vector<16xf32>
      %add3A_860 = arith.constant 6 : i32
      %add3A_861 = vector.broadcast %add3A_860 : i32 to vector<16xi32>
      %add3A_862 = arith.addi %mul3A_515, %add3A_861 : vector<16xi32>
      %gather3A_863 = tpu.vector_load_idx %arg19[%add3A_862] : memref<256xf32, #tpu.memory_space<vmem>>[vector<16xi32>], vector<16xf32>,
      %add3A_864 = arith.addf %add3A_859, %gather3A_863 : vector<16xf32>
      %add3A_865 = arith.constant 7 : i32
      %add3A_866 = vector.broadcast %add3A_865 : i32 to vector<16xi32>
      %add3A_867 = arith.addi %mul3A_515, %add3A_866 : vector<16xi32>
      %gather3A_868 = tpu.vector_load_idx %arg19[%add3A_867] : memref<256xf32, #tpu.memory_space<vmem>>[vector<16xi32>], vector<16xf32>,
      %add3A_869 = arith.addf %add3A_864, %gather3A_868 : vector<16xf32>
      %add3A_870 = arith.constant 8 : i32
      %add3A_871 = vector.broadcast %add3A_870 : i32 to vector<16xi32>
      %add3A_872 = arith.addi %mul3A_515, %add3A_871 : vector<16xi32>
      %gather3A_873 = tpu.vector_load_idx %arg19[%add3A_872] : memref<256xf32, #tpu.memory_space<vmem>>[vector<16xi32>], vector<16xf32>,
      %add3A_874 = arith.addf %add3A_869, %gather3A_873 : vector<16xf32>
      %add3A_875 = arith.constant 9 : i32
      %add3A_876 = vector.broadcast %add3A_875 : i32 to vector<16xi32>
      %add3A_877 = arith.addi %mul3A_515, %add3A_876 : vector<16xi32>
      %gather3A_878 = tpu.vector_load_idx %arg19[%add3A_877] : memref<256xf32, #tpu.memory_space<vmem>>[vector<16xi32>], vector<16xf32>,
      %add3A_879 = arith.addf %add3A_874, %gather3A_878 : vector<16xf32>
      %add3A_880 = arith.constant 10 : i32
      %add3A_881 = vector.broadcast %add3A_880 : i32 to vector<16xi32>
      %add3A_882 = arith.addi %mul3A_515, %add3A_881 : vector<16xi32>
      %gather3A_883 = tpu.vector_load_idx %arg19[%add3A_882] : memref<256xf32, #tpu.memory_space<vmem>>[vector<16xi32>], vector<16xf32>,
      %add3A_884 = arith.addf %add3A_879, %gather3A_883 : vector<16xf32>
      %add3A_885 = arith.constant 11 : i32
      %add3A_886 = vector.broadcast %add3A_885 : i32 to vector<16xi32>
      %add3A_887 = arith.addi %mul3A_515, %add3A_886 : vector<16xi32>
      %gather3A_888 = tpu.vector_load_idx %arg19[%add3A_887] : memref<256xf32, #tpu.memory_space<vmem>>[vector<16xi32>], vector<16xf32>,
      %add3A_889 = arith.addf %add3A_884, %gather3A_888 : vector<16xf32>
      %add3A_890 = arith.constant 12 : i32
      %add3A_891 = vector.broadcast %add3A_890 : i32 to vector<16xi32>
      %add3A_892 = arith.addi %mul3A_515, %add3A_891 : vector<16xi32>
      %gather3A_893 = tpu.vector_load_idx %arg19[%add3A_892] : memref<256xf32, #tpu.memory_space<vmem>>[vector<16xi32>], vector<16xf32>,
      %add3A_894 = arith.addf %add3A_889, %gather3A_893 : vector<16xf32>
      %add3A_895 = arith.constant 13 : i32
      %add3A_896 = vector.broadcast %add3A_895 : i32 to vector<16xi32>
      %add3A_897 = arith.addi %mul3A_515, %add3A_896 : vector<16xi32>
      %gather3A_898 = tpu.vector_load_idx %arg19[%add3A_897] : memref<256xf32, #tpu.memory_space<vmem>>[vector<16xi32>], vector<16xf32>,
      %add3A_899 = arith.addf %add3A_894, %gather3A_898 : vector<16xf32>
      %add3A_900 = arith.constant 14 : i32
      %add3A_901 = vector.broadcast %add3A_900 : i32 to vector<16xi32>
      %add3A_902 = arith.addi %mul3A_515, %add3A_901 : vector<16xi32>
      %gather3A_903 = tpu.vector_load_idx %arg19[%add3A_902] : memref<256xf32, #tpu.memory_space<vmem>>[vector<16xi32>], vector<16xf32>,
      %add3A_904 = arith.addf %add3A_899, %gather3A_903 : vector<16xf32>
      %add3A_905 = arith.constant 15 : i32
      %add3A_906 = vector.broadcast %add3A_905 : i32 to vector<16xi32>
      %add3A_907 = arith.addi %mul3A_515, %add3A_906 : vector<16xi32>
      %gather3A_908 = tpu.vector_load_idx %arg19[%add3A_907] : memref<256xf32, #tpu.memory_space<vmem>>[vector<16xi32>], vector<16xf32>,
      %add3A_909 = arith.addf %add3A_904, %gather3A_908 : vector<16xf32>
      %get3A_910 = arith.index_cast %mul3A_531 : i32 to index
      %get3A_911 = tpu.vector_load %arg17[%get3A_910] {strides = array<i32>} : memref<512xf32, #tpu.memory_space<vmem>>, vector<16xf32>,
      %add3A_912 = arith.addf %add3A_909, %get3A_911 : vector<16xf32>
      %get3A_913 = arith.index_cast %mul3A_531 : i32 to index
      %get3A_914 = tpu.vector_load %arg18[%get3A_913] {strides = array<i32>} : memref<512xf32, #tpu.memory_space<vmem>>, vector<16xf32>,
      %add3A_915 = arith.addf %add3A_912, %get3A_914 : vector<16xf32>
      %get3A_916 = arith.index_cast %mul3A_531 : i32 to index
      %get3A_917 = tpu.vector_load %arg14[%get3A_916] {strides = array<i32>} : memref<512xf32, #tpu.memory_space<vmem>>, vector<16xf32>,
      %bitcast_convert_type3A = tpu.bitcast %get3A_917 : vector<16xf32> -> vector<16xi32>
      %shift_right_arithmetic3A = arith.constant 23 : i32
      %shift_right_arithmetic3A_918 = vector.broadcast %shift_right_arithmetic3A : i32 to vector<16xi32>
      %shift_right_arithmetic3A_919 = arith.shrsi %bitcast_convert_type3A, %shift_right_arithmetic3A_918 : vector<16xi32>
      %sub3A = arith.constant 127 : i32
      %sub3A_920 = vector.broadcast %sub3A : i32 to vector<16xi32>
      %sub3A_921 = arith.subi %shift_right_arithmetic3A_919, %sub3A_920 : vector<16xi32>
      %and3A = arith.constant 8388607 : i32
      %and3A_922 = vector.broadcast %and3A : i32 to vector<16xi32>
      %and3A_923 = arith.andi %bitcast_convert_type3A, %and3A_922 : vector<16xi32>
      %or3A = arith.constant 1065353216 : i32
      %or3A_924 = vector.broadcast %or3A : i32 to vector<16xi32>
      %or3A_925 = arith.ori %and3A_923, %or3A_924 : vector<16xi32>
      %bitcast_convert_type3A_926 = tpu.bitcast %or3A_925 : vector<16xi32> -> vector<16xf32>
      %ge3A = arith.constant 1.41421354 : f32
      %ge3A_927 = vector.broadcast %ge3A : f32 to vector<16xf32>
      %ge3A_928 = arith.cmpf oge, %bitcast_convert_type3A_926, %ge3A_927 : vector<16xf32>
      %mul3A_929 = arith.constant 5.000000e-01 : f32
      %mul3A_930 = vector.broadcast %mul3A_929 : f32 to vector<16xf32>
      %mul3A_931 = arith.mulf %bitcast_convert_type3A_926, %mul3A_930 : vector<16xf32>
      %select_n3A = arith.select %ge3A_928, %mul3A_931, %bitcast_convert_type3A_926 : vector<16xi1>, vector<16xf32>
      %jit3A = arith.constant 1 : i32
      %jit3A_932 = arith.constant 0 : i32
      %broadcast_in_dim3A_933 = vector.broadcast %jit3A : i32 to vector<16xi32>
      %broadcast_in_dim3A_934 = vector.broadcast %jit3A_932 : i32 to vector<16xi32>
      %select_n3A_935 = arith.select %ge3A_928, %broadcast_in_dim3A_933, %broadcast_in_dim3A_934 : vector<16xi1>, vector<16xi32>
      %add3A_936 = arith.addi %sub3A_921, %select_n3A_935 : vector<16xi32>
      %sub3A_937 = arith.constant 1.000000e+00 : f32
      %sub3A_938 = vector.broadcast %sub3A_937 : f32 to vector<16xf32>
      %sub3A_939 = arith.subf %select_n3A, %sub3A_938 : vector<16xf32>
      %add3A_940 = arith.constant 1.000000e+00 : f32
      %add3A_941 = vector.broadcast %add3A_940 : f32 to vector<16xf32>
      %add3A_942 = arith.addf %select_n3A, %add3A_941 : vector<16xf32>
      %div3A = arith.divf %sub3A_939, %add3A_942 : vector<16xf32>
      %mul3A_943 = arith.mulf %div3A, %div3A : vector<16xf32>
      %mul3A_944 = arith.constant 0.412198573 : f32
      %mul3A_945 = vector.broadcast %mul3A_944 : f32 to vector<16xf32>
      %mul3A_946 = arith.mulf %mul3A_943, %mul3A_945 : vector<16xf32>
      %add3A_947 = arith.constant 0.577078044 : f32
      %add3A_948 = vector.broadcast %add3A_947 : f32 to vector<16xf32>
      %add3A_949 = arith.addf %add3A_948, %mul3A_946 : vector<16xf32>
      %mul3A_950 = arith.mulf %mul3A_943, %add3A_949 : vector<16xf32>
      %add3A_951 = arith.constant 0.9617967 : f32
      %add3A_952 = vector.broadcast %add3A_951 : f32 to vector<16xf32>
      %add3A_953 = arith.addf %add3A_952, %mul3A_950 : vector<16xf32>
      %mul3A_954 = arith.mulf %mul3A_943, %add3A_953 : vector<16xf32>
      %add3A_955 = arith.constant 2.885390e+00 : f32
      %add3A_956 = vector.broadcast %add3A_955 : f32 to vector<16xf32>
      %add3A_957 = arith.addf %add3A_956, %mul3A_954 : vector<16xf32>
      %mul3A_958 = arith.mulf %div3A, %add3A_957 : vector<16xf32>
      %convert_element_type3A_959 = arith.sitofp %add3A_936 : vector<16xi32> to vector<16xf32>
      %add3A_960 = arith.addf %convert_element_type3A_959, %mul3A_958 : vector<16xf32>
      %mul3A_961 = arith.constant 0.693147182 : f32
      %mul3A_962 = vector.broadcast %mul3A_961 : f32 to vector<16xf32>
      %mul3A_963 = arith.mulf %add3A_960, %mul3A_962 : vector<16xf32>
      %mul3A_964 = arith.constant 0.00999999977 : f32
      %mul3A_965 = vector.broadcast %mul3A_964 : f32 to vector<16xf32>
      %mul3A_966 = arith.mulf %get3A_917, %mul3A_965 : vector<16xf32>
      %min3A = arith.constant 1.000000e+00 : f32
      %min3A_967 = vector.broadcast %min3A : f32 to vector<16xf32>
      %min3A_968 = arith.minimumf %mul3A_966, %min3A_967 : vector<16xf32>
      %bitcast_convert_type3A_969 = tpu.bitcast %min3A_968 : vector<16xf32> -> vector<16xi32>
      %shift_right_arithmetic3A_970 = arith.constant 23 : i32
      %shift_right_arithmetic3A_971 = vector.broadcast %shift_right_arithmetic3A_970 : i32 to vector<16xi32>
      %shift_right_arithmetic3A_972 = arith.shrsi %bitcast_convert_type3A_969, %shift_right_arithmetic3A_971 : vector<16xi32>
      %sub3A_973 = arith.constant 127 : i32
      %sub3A_974 = vector.broadcast %sub3A_973 : i32 to vector<16xi32>
      %sub3A_975 = arith.subi %shift_right_arithmetic3A_972, %sub3A_974 : vector<16xi32>
      %and3A_976 = arith.constant 8388607 : i32
      %and3A_977 = vector.broadcast %and3A_976 : i32 to vector<16xi32>
      %and3A_978 = arith.andi %bitcast_convert_type3A_969, %and3A_977 : vector<16xi32>
      %or3A_979 = arith.constant 1065353216 : i32
      %or3A_980 = vector.broadcast %or3A_979 : i32 to vector<16xi32>
      %or3A_981 = arith.ori %and3A_978, %or3A_980 : vector<16xi32>
      %bitcast_convert_type3A_982 = tpu.bitcast %or3A_981 : vector<16xi32> -> vector<16xf32>
      %ge3A_983 = arith.constant 1.41421354 : f32
      %ge3A_984 = vector.broadcast %ge3A_983 : f32 to vector<16xf32>
      %ge3A_985 = arith.cmpf oge, %bitcast_convert_type3A_982, %ge3A_984 : vector<16xf32>
      %mul3A_986 = arith.constant 5.000000e-01 : f32
      %mul3A_987 = vector.broadcast %mul3A_986 : f32 to vector<16xf32>
      %mul3A_988 = arith.mulf %bitcast_convert_type3A_982, %mul3A_987 : vector<16xf32>
      %select_n3A_989 = arith.select %ge3A_985, %mul3A_988, %bitcast_convert_type3A_982 : vector<16xi1>, vector<16xf32>
      %jit3A_990 = arith.constant 1 : i32
      %jit3A_991 = arith.constant 0 : i32
      %broadcast_in_dim3A_992 = vector.broadcast %jit3A_990 : i32 to vector<16xi32>
      %broadcast_in_dim3A_993 = vector.broadcast %jit3A_991 : i32 to vector<16xi32>
      %select_n3A_994 = arith.select %ge3A_985, %broadcast_in_dim3A_992, %broadcast_in_dim3A_993 : vector<16xi1>, vector<16xi32>
      %add3A_995 = arith.addi %sub3A_975, %select_n3A_994 : vector<16xi32>
      %sub3A_996 = arith.constant 1.000000e+00 : f32
      %sub3A_997 = vector.broadcast %sub3A_996 : f32 to vector<16xf32>
      %sub3A_998 = arith.subf %select_n3A_989, %sub3A_997 : vector<16xf32>
      %add3A_999 = arith.constant 1.000000e+00 : f32
      %add3A_1000 = vector.broadcast %add3A_999 : f32 to vector<16xf32>
      %add3A_1001 = arith.addf %select_n3A_989, %add3A_1000 : vector<16xf32>
      %div3A_1002 = arith.divf %sub3A_998, %add3A_1001 : vector<16xf32>
      %mul3A_1003 = arith.mulf %div3A_1002, %div3A_1002 : vector<16xf32>
      %mul3A_1004 = arith.constant 0.412198573 : f32
      %mul3A_1005 = vector.broadcast %mul3A_1004 : f32 to vector<16xf32>
      %mul3A_1006 = arith.mulf %mul3A_1003, %mul3A_1005 : vector<16xf32>
      %add3A_1007 = arith.constant 0.577078044 : f32
      %add3A_1008 = vector.broadcast %add3A_1007 : f32 to vector<16xf32>
      %add3A_1009 = arith.addf %add3A_1008, %mul3A_1006 : vector<16xf32>
      %mul3A_1010 = arith.mulf %mul3A_1003, %add3A_1009 : vector<16xf32>
      %add3A_1011 = arith.constant 0.9617967 : f32
      %add3A_1012 = vector.broadcast %add3A_1011 : f32 to vector<16xf32>
      %add3A_1013 = arith.addf %add3A_1012, %mul3A_1010 : vector<16xf32>
      %mul3A_1014 = arith.mulf %mul3A_1003, %add3A_1013 : vector<16xf32>
      %add3A_1015 = arith.constant 2.885390e+00 : f32
      %add3A_1016 = vector.broadcast %add3A_1015 : f32 to vector<16xf32>
      %add3A_1017 = arith.addf %add3A_1016, %mul3A_1014 : vector<16xf32>
      %mul3A_1018 = arith.mulf %div3A_1002, %add3A_1017 : vector<16xf32>
      %convert_element_type3A_1019 = arith.sitofp %add3A_995 : vector<16xi32> to vector<16xf32>
      %add3A_1020 = arith.addf %convert_element_type3A_1019, %mul3A_1018 : vector<16xf32>
      %mul3A_1021 = arith.constant 0.519860387 : f32
      %mul3A_1022 = vector.broadcast %mul3A_1021 : f32 to vector<16xf32>
      %mul3A_1023 = arith.mulf %mul3A_1022, %add3A_1020 : vector<16xf32>
      %exp3A = math.exp %mul3A_1023 : vector<16xf32>
      %sub3A_1024 = arith.subf %add3A_915, %mul3A_963 : vector<16xf32>
      %mul3A_1025 = arith.mulf %exp3A, %sub3A_1024 : vector<16xf32>
      %mul3A_1026 = arith.mulf %mul3A_1025, %sub3A_1024 : vector<16xf32>
      %add3A_1027 = arith.addf %scan3A_529, %mul3A_1026 : vector<16xf32>
      scf.yield %add3A_1027 : vector<16xf32>
    }
    %scan3A_521 = arith.constant 32 : i32
    %mul3A_522 = arith.constant 5.000000e-01 : f32
    %mul3A_523 = vector.broadcast %mul3A_522 : f32 to vector<16xf32>
    %mul3A_524 = arith.mulf %scan3A_520, %mul3A_523 : vector<16xf32>
    %swap3A = arith.constant 0 : index
    %swap3A_525 = tpu.vector_load %arg20[%swap3A] {strides = array<i32>} : memref<16xf32, #tpu.memory_space<vmem>>, vector<16xf32>,
    tpu.vector_store %arg20[%swap3A], %mul3A_524 {strides = array<i32>} : memref<16xf32, #tpu.memory_space<vmem>>, vector<16xf32>,
    "tpu.region"() ({
      %run_scoped3A = tpu.sem_alloc : memref<!tpu.dma_semaphore, #tpu.memory_space<semaphore_mem>>
      %dma_start3A_528 = arith.constant 0 : i32
      %dma_start3A_529 = tpu.memref_slice %arg23[%arg1, %dma_start3A_528] : memref<16x16xf32, #tpu.memory_space<vmem_shared>> -> memref<1x16xf32, #tpu.memory_space<vmem_shared>>
      %dma_start3A_530 = tpu.memref_squeeze %dma_start3A_529 : memref<1x16xf32, #tpu.memory_space<vmem_shared>> -> memref<16xf32, #tpu.memory_space<vmem_shared>>
      %dma_start3A_531 = arith.constant 0 : i32
      %dma_start3A_532 = tpu.memref_slice %arg23[%arg1, %dma_start3A_531] : memref<16x16xf32, #tpu.memory_space<vmem_shared>> -> memref<1x16xf32, #tpu.memory_space<vmem_shared>>
      %dma_start3A_533 = tpu.memref_squeeze %dma_start3A_532 : memref<1x16xf32, #tpu.memory_space<vmem_shared>> -> memref<16xf32, #tpu.memory_space<vmem_shared>>
      tpu.enqueue_dma source(%arg20 : memref<16xf32, #tpu.memory_space<vmem>>) target(%dma_start3A_533 : memref<16xf32, #tpu.memory_space<vmem_shared>>) target_semaphore(%run_scoped3A : memref<!tpu.dma_semaphore, #tpu.memory_space<semaphore_mem>>)
      %dma_wait3A_534 = arith.constant 0 : i32
      %dma_wait3A_535 = tpu.memref_slice %arg23[%arg1, %dma_wait3A_534] : memref<16x16xf32, #tpu.memory_space<vmem_shared>> -> memref<1x16xf32, #tpu.memory_space<vmem_shared>>
      %dma_wait3A_536 = tpu.memref_squeeze %dma_wait3A_535 : memref<1x16xf32, #tpu.memory_space<vmem_shared>> -> memref<16xf32, #tpu.memory_space<vmem_shared>>
      %dma_wait3A_537 = arith.constant 0 : i32
      %dma_wait3A_538 = tpu.memref_slice %arg23[%arg1, %dma_wait3A_537] : memref<16x16xf32, #tpu.memory_space<vmem_shared>> -> memref<1x16xf32, #tpu.memory_space<vmem_shared>>
      %dma_wait3A_539 = tpu.memref_squeeze %dma_wait3A_538 : memref<1x16xf32, #tpu.memory_space<vmem_shared>> -> memref<16xf32, #tpu.memory_space<vmem_shared>>
      tpu.wait_dma2 semaphore(%run_scoped3A : memref<!tpu.dma_semaphore, #tpu.memory_space<semaphore_mem>>) src(%arg20 : memref<16xf32, #tpu.memory_space<vmem>>) dst(%dma_wait3A_539 : memref<16xf32, #tpu.memory_space<vmem_shared>>)
      tpu.yield
    }) : () -> ()
    %barrier3A = arith.constant 0 : index
    tpu.barrier barrier_id(%barrier3A)
    %eq3A = arith.constant 0 : i32
    %eq3A_526 = arith.cmpi eq, %arg1, %eq3A : i32
    %convert_element_type3A = arith.extui %eq3A_526 : i1 to i32
    %cond3A = arith.constant 0 : i32
    %cond3A_527 = arith.cmpi ne, %convert_element_type3A, %cond3A : i32
    scf.if %cond3A_527 {
      "tpu.region"() ({
        %run_scoped3A = tpu.sem_alloc : memref<!tpu.dma_semaphore, #tpu.memory_space<semaphore_mem>>
        tpu.enqueue_dma source(%arg23 : memref<16x16xf32, #tpu.memory_space<vmem_shared>>) target(%arg21 : memref<16x16xf32, #tpu.memory_space<vmem>>) target_semaphore(%run_scoped3A : memref<!tpu.dma_semaphore, #tpu.memory_space<semaphore_mem>>)
        tpu.wait_dma2 semaphore(%run_scoped3A : memref<!tpu.dma_semaphore, #tpu.memory_space<semaphore_mem>>) src(%arg23 : memref<16x16xf32, #tpu.memory_space<vmem_shared>>) dst(%arg21 : memref<16x16xf32, #tpu.memory_space<vmem>>)
        tpu.yield
      }) : () -> ()
      %get3A = arith.constant 0 : i32
      %get3A_528 = arith.index_cast %get3A : i32 to index
      %get3A_529 = arith.constant 0 : index
      %get3A_530 = tpu.vector_load %arg21[%get3A_528, %get3A_529] {strides = array<i32>} : memref<16x16xf32, #tpu.memory_space<vmem>>, vector<16xf32>,
      %get3A_531 = arith.constant 1 : i32
      %get3A_532 = arith.index_cast %get3A_531 : i32 to index
      %get3A_533 = arith.constant 0 : index
      %get3A_534 = tpu.vector_load %arg21[%get3A_532, %get3A_533] {strides = array<i32>} : memref<16x16xf32, #tpu.memory_space<vmem>>, vector<16xf32>,
      %add3A_535 = arith.addf %get3A_530, %get3A_534 : vector<16xf32>
      %get3A_536 = arith.constant 2 : i32
      %get3A_537 = arith.index_cast %get3A_536 : i32 to index
      %get3A_538 = arith.constant 0 : index
      %get3A_539 = tpu.vector_load %arg21[%get3A_537, %get3A_538] {strides = array<i32>} : memref<16x16xf32, #tpu.memory_space<vmem>>, vector<16xf32>,
      %add3A_540 = arith.addf %add3A_535, %get3A_539 : vector<16xf32>
      %get3A_541 = arith.constant 3 : i32
      %get3A_542 = arith.index_cast %get3A_541 : i32 to index
      %get3A_543 = arith.constant 0 : index
      %get3A_544 = tpu.vector_load %arg21[%get3A_542, %get3A_543] {strides = array<i32>} : memref<16x16xf32, #tpu.memory_space<vmem>>, vector<16xf32>,
      %add3A_545 = arith.addf %add3A_540, %get3A_544 : vector<16xf32>
      %get3A_546 = arith.constant 4 : i32
      %get3A_547 = arith.index_cast %get3A_546 : i32 to index
      %get3A_548 = arith.constant 0 : index
      %get3A_549 = tpu.vector_load %arg21[%get3A_547, %get3A_548] {strides = array<i32>} : memref<16x16xf32, #tpu.memory_space<vmem>>, vector<16xf32>,
      %add3A_550 = arith.addf %add3A_545, %get3A_549 : vector<16xf32>
      %get3A_551 = arith.constant 5 : i32
      %get3A_552 = arith.index_cast %get3A_551 : i32 to index
      %get3A_553 = arith.constant 0 : index
      %get3A_554 = tpu.vector_load %arg21[%get3A_552, %get3A_553] {strides = array<i32>} : memref<16x16xf32, #tpu.memory_space<vmem>>, vector<16xf32>,
      %add3A_555 = arith.addf %add3A_550, %get3A_554 : vector<16xf32>
      %get3A_556 = arith.constant 6 : i32
      %get3A_557 = arith.index_cast %get3A_556 : i32 to index
      %get3A_558 = arith.constant 0 : index
      %get3A_559 = tpu.vector_load %arg21[%get3A_557, %get3A_558] {strides = array<i32>} : memref<16x16xf32, #tpu.memory_space<vmem>>, vector<16xf32>,
      %add3A_560 = arith.addf %add3A_555, %get3A_559 : vector<16xf32>
      %get3A_561 = arith.constant 7 : i32
      %get3A_562 = arith.index_cast %get3A_561 : i32 to index
      %get3A_563 = arith.constant 0 : index
      %get3A_564 = tpu.vector_load %arg21[%get3A_562, %get3A_563] {strides = array<i32>} : memref<16x16xf32, #tpu.memory_space<vmem>>, vector<16xf32>,
      %add3A_565 = arith.addf %add3A_560, %get3A_564 : vector<16xf32>
      %get3A_566 = arith.constant 8 : i32
      %get3A_567 = arith.index_cast %get3A_566 : i32 to index
      %get3A_568 = arith.constant 0 : index
      %get3A_569 = tpu.vector_load %arg21[%get3A_567, %get3A_568] {strides = array<i32>} : memref<16x16xf32, #tpu.memory_space<vmem>>, vector<16xf32>,
      %add3A_570 = arith.addf %add3A_565, %get3A_569 : vector<16xf32>
      %get3A_571 = arith.constant 9 : i32
      %get3A_572 = arith.index_cast %get3A_571 : i32 to index
      %get3A_573 = arith.constant 0 : index
      %get3A_574 = tpu.vector_load %arg21[%get3A_572, %get3A_573] {strides = array<i32>} : memref<16x16xf32, #tpu.memory_space<vmem>>, vector<16xf32>,
      %add3A_575 = arith.addf %add3A_570, %get3A_574 : vector<16xf32>
      %get3A_576 = arith.constant 10 : i32
      %get3A_577 = arith.index_cast %get3A_576 : i32 to index
      %get3A_578 = arith.constant 0 : index
      %get3A_579 = tpu.vector_load %arg21[%get3A_577, %get3A_578] {strides = array<i32>} : memref<16x16xf32, #tpu.memory_space<vmem>>, vector<16xf32>,
      %add3A_580 = arith.addf %add3A_575, %get3A_579 : vector<16xf32>
      %get3A_581 = arith.constant 11 : i32
      %get3A_582 = arith.index_cast %get3A_581 : i32 to index
      %get3A_583 = arith.constant 0 : index
      %get3A_584 = tpu.vector_load %arg21[%get3A_582, %get3A_583] {strides = array<i32>} : memref<16x16xf32, #tpu.memory_space<vmem>>, vector<16xf32>,
      %add3A_585 = arith.addf %add3A_580, %get3A_584 : vector<16xf32>
      %get3A_586 = arith.constant 12 : i32
      %get3A_587 = arith.index_cast %get3A_586 : i32 to index
      %get3A_588 = arith.constant 0 : index
      %get3A_589 = tpu.vector_load %arg21[%get3A_587, %get3A_588] {strides = array<i32>} : memref<16x16xf32, #tpu.memory_space<vmem>>, vector<16xf32>,
      %add3A_590 = arith.addf %add3A_585, %get3A_589 : vector<16xf32>
      %get3A_591 = arith.constant 13 : i32
      %get3A_592 = arith.index_cast %get3A_591 : i32 to index
      %get3A_593 = arith.constant 0 : index
      %get3A_594 = tpu.vector_load %arg21[%get3A_592, %get3A_593] {strides = array<i32>} : memref<16x16xf32, #tpu.memory_space<vmem>>, vector<16xf32>,
      %add3A_595 = arith.addf %add3A_590, %get3A_594 : vector<16xf32>
      %get3A_596 = arith.constant 14 : i32
      %get3A_597 = arith.index_cast %get3A_596 : i32 to index
      %get3A_598 = arith.constant 0 : index
      %get3A_599 = tpu.vector_load %arg21[%get3A_597, %get3A_598] {strides = array<i32>} : memref<16x16xf32, #tpu.memory_space<vmem>>, vector<16xf32>,
      %add3A_600 = arith.addf %add3A_595, %get3A_599 : vector<16xf32>
      %get3A_601 = arith.constant 15 : i32
      %get3A_602 = arith.index_cast %get3A_601 : i32 to index
      %get3A_603 = arith.constant 0 : index
      %get3A_604 = tpu.vector_load %arg21[%get3A_602, %get3A_603] {strides = array<i32>} : memref<16x16xf32, #tpu.memory_space<vmem>>, vector<16xf32>,
      %add3A_605 = arith.addf %add3A_600, %get3A_604 : vector<16xf32>
      %reduce_sum3A = arith.constant true
      %reduce_sum3A_606 = vector.broadcast %reduce_sum3A : i1 to vector<16xi1>
      %reduce_sum3A_607 = tpu.scan <sum>, %add3A_605 masked %reduce_sum3A_606 : vector<16xf32>, vector<16xi1> -> vector<16xf32>
      %reduce_sum3A_608 = vector.extract %reduce_sum3A_607[15] : f32 from vector<16xf32>
      %broadcast_in_dim3A_609 = vector.broadcast %reduce_sum3A_608 : f32 to vector<16xf32>
      %swap3A_610 = arith.constant 0 : index
      %swap3A_611 = tpu.vector_load %arg22[%swap3A_610] {strides = array<i32>} : memref<16xf32, #tpu.memory_space<vmem>>, vector<16xf32>,
      tpu.vector_store %arg22[%swap3A_610], %broadcast_in_dim3A_609 {strides = array<i32>} : memref<16xf32, #tpu.memory_space<vmem>>, vector<16xf32>,
      "tpu.region"() ({
        %run_scoped3A = tpu.sem_alloc : memref<!tpu.dma_semaphore, #tpu.memory_space<semaphore_mem>>
        %dma_start3A_612 = arith.constant 0 : i32
        %dma_start3A_613 = tpu.memref_slice %arg10[%arg0, %dma_start3A_612] : memref<2x16xf32, #tpu.memory_space<hbm>> -> memref<1x16xf32, #tpu.memory_space<hbm>>
        %dma_start3A_614 = tpu.memref_squeeze %dma_start3A_613 : memref<1x16xf32, #tpu.memory_space<hbm>> -> memref<16xf32, #tpu.memory_space<hbm>>
        %dma_start3A_615 = arith.constant 0 : i32
        %dma_start3A_616 = tpu.memref_slice %arg10[%arg0, %dma_start3A_615] : memref<2x16xf32, #tpu.memory_space<hbm>> -> memref<1x16xf32, #tpu.memory_space<hbm>>
        %dma_start3A_617 = tpu.memref_squeeze %dma_start3A_616 : memref<1x16xf32, #tpu.memory_space<hbm>> -> memref<16xf32, #tpu.memory_space<hbm>>
        tpu.enqueue_dma source(%arg22 : memref<16xf32, #tpu.memory_space<vmem>>) target(%dma_start3A_617 : memref<16xf32, #tpu.memory_space<hbm>>) target_semaphore(%run_scoped3A : memref<!tpu.dma_semaphore, #tpu.memory_space<semaphore_mem>>)
        %dma_wait3A_618 = arith.constant 0 : i32
        %dma_wait3A_619 = tpu.memref_slice %arg10[%arg0, %dma_wait3A_618] : memref<2x16xf32, #tpu.memory_space<hbm>> -> memref<1x16xf32, #tpu.memory_space<hbm>>
        %dma_wait3A_620 = tpu.memref_squeeze %dma_wait3A_619 : memref<1x16xf32, #tpu.memory_space<hbm>> -> memref<16xf32, #tpu.memory_space<hbm>>
        %dma_wait3A_621 = arith.constant 0 : i32
        %dma_wait3A_622 = tpu.memref_slice %arg10[%arg0, %dma_wait3A_621] : memref<2x16xf32, #tpu.memory_space<hbm>> -> memref<1x16xf32, #tpu.memory_space<hbm>>
        %dma_wait3A_623 = tpu.memref_squeeze %dma_wait3A_622 : memref<1x16xf32, #tpu.memory_space<hbm>> -> memref<16xf32, #tpu.memory_space<hbm>>
        tpu.wait_dma2 semaphore(%run_scoped3A : memref<!tpu.dma_semaphore, #tpu.memory_space<semaphore_mem>>) src(%arg22 : memref<16xf32, #tpu.memory_space<vmem>>) dst(%dma_wait3A_623 : memref<16xf32, #tpu.memory_space<hbm>>)
        tpu.yield
      }) : () -> ()
    } else {
    }
    return
  }
}

</mosaic_0001>

<sc_bundles>
// kernel: kernel.3.cloned.1.call-start
scs
__scs_entry_jumppad:
0x0: {  	(pc) =	sbr.rel $0x88, $3  }
0x1: {  	(tag) =	ssettag $0x0;
	lr =	simm.s32 $0x1  }
0x2: {  	[smem:$0x3F99] =	sst lr;
	_ =	strace $0xD0000000  }
0x3: {  	_ = 	snop  }
0x4: {  	_ = 	snop  }
0x5: {  	_ = 	snop  }
0x6: {  	_ = 	snop  }
0x7: {  	_ = 	snop  }
__scs_overlays_trampoline_lowered:
0x8: {  	[smem:$0x3FA8] =	sst s0  }
0x9: {  	[smem:$0x3FA9] =	sst s1  }
0xa: {  	[smem:$0x3FAA] =	sst s2  }
0xb: {  	[smem:$0x3FAB] =	sst s3  }
0xc: {  	[smem:$0x3FAC] =	sst s4  }
0xd: {  	[smem:$0x3FAD] =	sst s5  }
0xe: {  	[smem:$0x3FAE] =	sst s6  }
0xf: {  	[smem:$0x3FAF] =	sst s7  }
0x10: {  	[smem:$0x3FB0] =	sst s8  }
0x11: {  	[smem:$0x3FB1] =	sst s9;
	s0 =	simm.s32 @!p0 $0x0  }
0x12: {  	s1 =	sld [smem:$0x3F97];
	s0 =	simm.s32 @p0 $0x1  }
0x13: {  	[smem:$0x3FB2] =	sst s0;
	s0 =	simm.s32 @!p1 $0x0  }
0x14: {  	s2 =	sld [smem:$0x3F96];
	s0 =	simm.s32 @p1 $0x1  }
0x15: {  	[smem:$0x3FB3] =	sst s0;
	s0 =	simm.s32 @!p2 $0x0  }
0x16: {  	s3 =	sld [smem:$0x3FDB];
	s0 =	simm.s32 @p2 $0x1  }
0x17: {  	s4 =	simm.s32 $0x1BF5;
	[smem:$0x3FB5] =	sst s0  }
0x18: {  	s0 =	sld [smem:$0x3F98];
	_ =	swait.ge [sflag:s4], $0x0  }
0x19: {  	s7 =	sld [smem:$0x3F99]  }
0x1a: {  	s8 =	sadd.s32 $0xFFFFE003, lr  }
0x1b: {  	s9 =	sadd.s32 $0xFFFFFEF7, lr;
	s5 =	simm.s32 $0xFFFFFFFF;
	p2 =	slt.u32 s8, $0xFFFFF086  }
0x1c: {  	p1 =	slt.u32 s9, $0xF7A;
	s5 =	simm.s32 @!p2 $0x0  }
0x1d: {  	s5 =	simm.s32 @p1 $0x1;
	p0 =	seq.s32 s7, s2  }
0x1e: {  	s7 =	smul.u32 @!p0 $0xF7A, s2;
	p2 =	seq.s32 @!p0 s5, $0x0  }
0x1f: {  	s9 =	smul.u32 $0xF7A, s1;
	s8 =	simm.s32 @!p0 $0x1BF5;
	p2 =	por !p2, p0  }
0x20: {  	[sflag:s8] =	ssyncset.s32 @!p0 $0xFFFFF086;
	s6 =	sadd.s32 @!p0 s3, s7;
	s7 =	simm.s32 @!p0 $0x108  }
0x21: {  	s3 =	sadd.s32 s3, s9;
	s6 =	sadd.s32 @!p0 $0x88, s6;
	s7 =	simm.s32 @p2 $0x1082  }
0x22: {  	[simem:s7], [sflag:s8] =	dma.local @!p0 [hbm:s6], $0xF7A  }
0x23: {  	s9 =	sor.u32 $0xD0000000, s2;
	s6 =	simm.s32 $0x108;
	_ =	swait.ge @!p0 [sflag:s8], $0x0  }
0x24: {  	s3 =	sadd.s32 $0x88, s3;
	s6 =	simm.s32 @!p1 $0x1082;
	[sflag:s4] =	ssyncset.s32 $0xFFFFF086  }
0x25: {  	[simem:s6], [sflag:s4] =	dma.local [hbm:s3], $0xF7A  }
0x26: {  	[smem:$0x3F99] =	sst s1;
	(tag) =	ssettag s2;
	_ =	strace s9  }
0x27: {  	s1 =	sld [smem:$0x3FA9]  }
0x28: {  	s2 =	sld [smem:$0x3FAA]  }
0x29: {  	s4 =	sld [smem:$0x3FAC]  }
0x2a: {  	p0 =	seq.s32 s5, $0x0;
	s5 =	sld [smem:$0x3FAD]  }
0x2b: {  	s6 =	sld [smem:$0x3FAE]  }
0x2c: {  	s7 =	sld [smem:$0x3FAF]  }
0x2d: {  	s3 =	simm.s32 $0x108;
	s8 =	sld [smem:$0x3FB0]  }
0x2e: {  	s3 =	simm.s32 @!p0 $0x1082;
	s9 =	sld [smem:$0x3FB1]  }
0x2f: {  	lr =	sadd.s32 s0, s3;
	s0 =	sld [smem:$0x3FA8]  }
0x30: {  	s3 =	sld [smem:$0x3FAB]  }
0x31: {  	[smem:$0x3FB4] =	sst s10  }
0x32: {  	s10 =	sld [smem:$0x3FB2];
	_ =	sdelay $0x3  }
0x33: {  	p0 =	seq.s32 s10, $0x1;
	s10 =	sld [smem:$0x3FB4];
	_ =	sdelay $0x3  }
0x34: {  	[smem:$0x3FB4] =	sst s10  }
0x35: {  	s10 =	sld [smem:$0x3FB3];
	_ =	sdelay $0x3  }
0x36: {  	p1 =	seq.s32 s10, $0x1;
	s10 =	sld [smem:$0x3FB4];
	_ =	sdelay $0x3  }
0x37: {  	[smem:$0x3FB4] =	sst s10  }
0x38: {  	s10 =	sld [smem:$0x3FB5]  }
0x39: {  	_ = 	snop;
	(pc) =	sbr.ind lr, $3  }
0x3a: {  	_ = 	snop  }
0x3b: {  	_ = 	snop  }
0x3c: {  	p2 =	seq.s32 s10, $0x1;
	s10 =	sld [smem:$0x3FB4]  }
0x3d: {  	_ =	shalt  }
0x3e: {  	_ =	shalt  }
0x3f: {  	_ =	shalt  }
0x40: {  	_ =	shalt  }
0x41: {  	_ =	shalt  }
0x42: {  	_ =	shalt  }
0x43: {  	_ =	shalt  }
0x44: {  	_ =	shalt  }
0x45: {  	_ =	shalt  }
0x46: {  	_ =	shalt  }
0x47: {  	_ =	shalt  }
0x48: {  	_ =	shalt  }
0x49: {  	_ =	shalt  }
0x4a: {  	_ =	shalt  }
0x4b: {  	_ =	shalt  }
0x4c: {  	_ =	shalt  }
0x4d: {  	_ =	shalt  }
0x4e: {  	_ =	shalt  }
0x4f: {  	_ =	shalt  }
0x50: {  	_ =	shalt  }
0x51: {  	_ =	shalt  }
0x52: {  	_ =	shalt  }
0x53: {  	_ =	shalt  }
0x54: {  	_ =	shalt  }
0x55: {  	_ =	shalt  }
0x56: {  	_ =	shalt  }
0x57: {  	_ =	shalt  }
0x58: {  	_ =	shalt  }
0x59: {  	_ =	shalt  }
0x5a: {  	_ =	shalt  }
0x5b: {  	_ =	shalt  }
0x5c: {  	_ =	shalt  }
0x5d: {  	_ =	shalt  }
0x5e: {  	_ =	shalt  }
0x5f: {  	_ =	shalt  }
0x60: {  	_ =	shalt  }
0x61: {  	_ =	shalt  }
0x62: {  	_ =	shalt  }
0x63: {  	_ =	shalt  }
0x64: {  	_ =	shalt  }
0x65: {  	_ =	shalt  }
0x66: {  	_ =	shalt  }
0x67: {  	_ =	shalt  }
0x68: {  	_ =	shalt  }
0x69: {  	_ =	shalt  }
0x6a: {  	_ =	shalt  }
0x6b: {  	_ =	shalt  }
0x6c: {  	_ =	shalt  }
0x6d: {  	_ =	shalt  }
0x6e: {  	_ =	shalt  }
0x6f: {  	_ =	shalt  }
0x70: {  	_ =	shalt  }
0x71: {  	_ =	shalt  }
0x72: {  	_ =	shalt  }
0x73: {  	_ =	shalt  }
0x74: {  	_ =	shalt  }
0x75: {  	_ =	shalt  }
0x76: {  	_ =	shalt  }
0x77: {  	_ =	shalt  }
0x78: {  	_ =	shalt  }
0x79: {  	_ =	shalt  }
0x7a: {  	_ =	shalt  }
0x7b: {  	_ =	shalt  }
0x7c: {  	_ =	shalt  }
0x7d: {  	_ =	shalt  }
0x7e: {  	_ =	shalt  }
0x7f: {  	_ =	shalt  }
0x80: {  	_ =	shalt  }
0x81: {  	_ =	shalt  }
0x82: {  	_ =	shalt  }
0x83: {  	_ =	shalt  }
0x84: {  	_ =	shalt  }
0x85: {  	_ =	shalt  }
0x86: {  	_ =	shalt  }
0x87: {  	_ =	shalt  }
.Lfunc_end0:
.L_simem_size_0:
called_computation_lowered:
.L_overlay_start_0:
0x88: {  	s2 =	sld [smem:$0x3FD9]  }
0x89: {  	s3 =	sld [smem:$0x3FFE];
	_ =	sdelay $0x1  }
0x8a: {  	s1 =	srdreg.scid  }
0x8b: {  	s0 =	sand.u32 $0x1, s1  }
0x8c: {  	s17 =	sshll.u32 s0, $0xA;
	s2 =	sadd.s32 s3, s2  }
0x8d: {  	s2 =	sadd.s32 s2, s17  }
0x8e: {  	[smem:$0x3FC0] =	sst s2  }
0x8f: {  	_ = 	snop  }
0x90: {  	s2 =	sld [smem:$0x3FC9]  }
0x91: {  	s18 =	sld [smem:$0x3FC8]  }
0x92: {  	s4 =	sld [smem:$0x3FC7]  }
0x93: {  	s5 =	sld [smem:$0x3FC6]  }
0x94: {  	s6 =	sld [smem:$0x3FD0];
	(tm) =	ssettm $0x1  }
0x95: {  	s7 =	sld [smem:$0x3FFB];
	_ =	sdelay $0x3  }
0x96: {  	_ =	strace s7  }
0x97: {  	s7 =	sld [smem:$0x3FFC];
	_ =	sdelay $0x3  }
0x98: {  	_ =	strace s7  }
0x99: {  	s7 =	sld [smem:$0x3FFD];
	_ =	sdelay $0x3  }
0x9a: {  	_ =	strace s7  }
0x9b: {  	_ =	strace $0x8FFFFFFF  }
0x9c: {  	s19 =	sld [smem:$0x3FDB];
	_ =	sdelay $0x1  }
0x9d: {  	s8 =	simm.s32 $_scs_section_size  }
0x9e: {  	s9 =	simm.s32 $_size__tile_overlayer_lowered;
	s10 =	simm.s32 $_tile_overlayer_lowered  }
0x9f: {  	s22 =	simm.s32 $0x1BFF;
	s21 =	sshll.u32 s10, $0x1;
	s7 =	sadd.s32 s8, s19  }
0xa0: {  	s11 =	simm.s32 $0x0;
	s20 =	sshll.u32 s9, $0x1;
	s9 =	sadd.s32 s21, s7  }
0xa1: {  	[timem:s11], [sflag:s22] =	dma.local [hbm:s9], s20  }
0xa2: {  	_ =	swait.ge [sflag:s22], s20  }
0xa3: {  	s8 =	ssub.s32 $0x0, s20;
	[sflag:s22] =	ssyncset.done $0x0  }
0xa4: {  	[sflag:s22] =	ssyncadd.s32 s8;
	_ =	sdelay $0x1  }
0xa5: {  	s23 =	simm.s32 $0x1B8B  }
0xa6: {  	_ =	swait.ge [sflag:s23], $0x1  }
0xa7: {  	[sflag:s23] =	ssyncset.done $0x0  }
0xa8: {  	s25 =	simm.s32 $0x1B8E;
	s24 =	sld [smem:$0x3FFE];
	[sflag:s23] =	ssyncadd.s32 $0xFFFFFFFF  }
0xa9: {  	s26 =	simm.s32 $execute0_lowered;
	[smem:$0x3FD2] =	sst s25  }
0xaa: {  	s9 =	sshll.u32 s26, $0x1;
	_ =	strace $0x80000046;
	[dreg:$0x1] =	wrdreg $0xFFFFFFFF  }
0xab: {  	s28 =	simm.s32 $_size_execute0_lowered;
	s7 =	sadd.s32 s7, s9;
	[dreg:$0x0] =	wrdreg $0x0  }
0xac: {  	s9 =	sshll.u32 s28, $0x1;
	[dreg:$0x2] =	wrdreg s7  }
0xad: {  	[dreg:$0x3] =	wrdreg s9  }
0xae: {  	[dreg:$0x4] =	wrdreg $0xC0  }
0xaf: {  	_ =	task [dreg:s11], $0x5FFFF  }
0xb0: {  	[dreg:$0x1] =	wrdreg $0xFFFFFFFF  }
0xb1: {  	[dreg:$0x0] =	wrdreg $0x60  }
0xb2: {  	[dreg:$0x2] =	wrdreg s2  }
0xb3: {  	[dreg:$0x3] =	wrdreg s18  }
0xb4: {  	[dreg:$0x4] =	wrdreg s4  }
0xb5: {  	[dreg:$0x5] =	wrdreg s5  }
0xb6: {  	[dreg:$0x6] =	wrdreg s24  }
0xb7: {  	[dreg:$0x7] =	wrdreg s6  }
0xb8: {  	[dreg:$0x8] =	wrdreg $0x8E200  }
0xb9: {  	[dreg:$0x9] =	wrdreg $0x9  }
0xba: {  	_ =	task.clear_ibuf [dreg:s11], $0xAFFFF;
	_ =	strace $0x90000046  }
0xbb: {  	s29 =	simm.s32 $0x9;
	_ =	strace $0x80000048  }
0xbc: {  	_ =	swait.ge [sflag:s29], $0x1  }
0xbd: {  	[sflag:s29] =	ssyncadd.s32 $0xFFFFFFFF  }
0xbe: {  	_ =	strace $0x90000048  }
0xbf: {  	_ =	sfence  }
0xc0: {  	s30 =	sld [smem:$0x0];
	_ =	sdelay $0x2  }
0xc1: {  	s31 =	sshll.u32 s1, $0xD;
	s1 =	sshrl.u32 s1, $0x2  }
0xc2: {  	s3 =	sand.u32 $0x4000, s31;
	s1 =	sadd.s32 s1, s30  }
0xc3: {  	s0 =	sor.u32 s3, s0;
	s1 =	sshll.u32 s1, $0x11  }
0xc4: {  	s0 =	sor.u32 s1, s0  }
0xc5: {  	s0 =	sadd.s32 $0x8F2B, s0  }
0xc6: {  	[sflag:s0] =	ssyncadd.remote.s32 $0x1  }
0xc7: {  	_ =	sfence.sel $0xFFFF  }
0xc8: {  	[dreg:$0x0] =	wrdreg $0xFFFFFFFF;
	(pc) =	sbr.abs _section_cstart, $3  }
0xc9: {  	[dreg:$0x1] =	wrdreg $0xFFFFFFFF  }
0xca: {  	_ =	task.clear_ibuf [dreg:s11], $0x2FFFF;
	_ =	strace $0x9FFFFFFF  }
0xcb: {  	(tm) =	ssettm $0x7FFFFFFF  }
tec
execute0_lowered:
.L_overlay_start_1:
0x0: {  	(tag) =	ssettag $0x1  }
0x1: {  	s1 =	rddreg [dreg:$0x0]  }
0x2: {  	s0 =	rddreg [dreg:$0x1]  }
0x3: {  	s2 =	rddreg [dreg:$0x2]  }
0x4: {  	s3 =	rddreg [dreg:$0x3]  }
0x5: {  	s4 =	rddreg [dreg:$0x4]  }
0x6: {  	s10 =	rddreg [dreg:$0x5]  }
0x7: {  	s14 =	rddreg [dreg:$0x6];
	s5 =	simm.s32 $0x0  }
0x8: {  	s6 =	srdreg.scid;
	s18 =	stileid.u32;
	s15 =	simm.s32 $0x80  }
0x9: {  	s16 =	simm.s32 $0x200;
	s17 =	simm.s32 $0x400;
	s19 =	simm.s32 $0x280  }
0xa: {  	s20 =	simm.s32 $0x480;
	s22 =	simm.s32 $0x100;
	s28 =	simm.s32 $0x380  }
0xb: {  	s29 =	simm.s32 $0x580;
	s31 =	simm.s32 $0x1;
	[smem:$0x7FF] =	sst s5  }
0xc: {  	s11 =	sand.u32 $0x1, s6;
	s6 =	sadd.s32 $0x1E9600, s4;
	s7 =	sadd.s32 $0x187A00, s4  }
0xd: {  	v0 =	vlaneseq.u32;
	s8 =	sadd.s32 $0x4200, s4;
	s9 =	sadd.s32 $0x1000, s4;
	s24 =	sshll.u32 s18, $0x6  }
0xe: {  	p0 =	sne.s32 s18, $0x0;
	v0 =	vmul.u32 $0x10, v0;
	_ =	strace $0x80000047;
	s12 =	ssub.s32 $0x2, s11  }
0xf: {  	v16 =	vimm.s32 $0x0;
	s25 =	sshll.u32 s11, $0xA;
	s1 =	sadd.s32 s1, s24;
	s30 =	sshll.u32 s11, $0x1  }
0x10: {  	s13 =	sshrl.u32 s12, $0x1;
	s1 =	sadd.s32 s25, s1;
	v1 =	vor.u32 $0x1, v0;
	v2 =	vor.u32 $0x2, v0;
	v13 =	vor.u32 $0xD, v0;
	s25 =	simm.s32 $0x8C00  }
0x11: {  	v3 =	vor.u32 $0x3, v0;
	v4 =	vor.u32 $0x4, v0;
	v14 =	vor.u32 $0xE, v0;
	s23 =	ssub.s32 s12, s13;
	s12 =	sshrl.u32 s24, $0x2;
	[dreg:$0x8] =	wrdreg s1  }
0x12: {  	v5 =	vor.u32 $0x5, v0;
	v6 =	vor.u32 $0x6, v0;
	v15 =	vor.u32 $0xF, v0;
	s24 =	simm.s32 $0x500;
	s1 =	simm.s32 $0x0;
	s26 =	sadd.s32 s12, s14  }
0x13: {  	v7 =	vor.u32 $0x7, v0;
	v8 =	vor.u32 $0x8, v0;
	v9 =	vor.u32 $0x9, v0;
	s12 =	sadd.s32 s10, s30;
	s13 =	smax.u32 s23, $0x1;
	s14 =	simm.s32 $0x2  }
0x14: {  	v10 =	vor.u32 $0xA, v0;
	v11 =	vor.u32 $0xB, v0;
	v12 =	vor.u32 $0xC, v0;
	s23 =	simm.s32 $0x300;
	[dreg:$0x9] =	wrdreg s26;
	s26 =	simm.s32 $0x180  }
.LBB2_1:
0x15: {  	s4 =	rddreg [dreg:$0x8]  }
0x16: {  	[tilespmem:s5], [sflag:$0x2] =	stream.linear.gather [hbm4b:s4+s5], $0x200, $0x38;
	[tilespmem:$0x8E30] =	vst v63  }
0x17: {  	_ =	swait.ge [sflag:s14], $0x200  }
0x18: {  	[sflag:s14] =	ssyncset.done $0x0  }
0x19: {  	[sflag:s14] =	ssyncadd.s32 $0xFFFFFE00  }
0x1a: {  	[tilespmem:s16], [sflag:$0x1] =	stream.indirect.gather [hbm4b:s0+s15], $0x1, s5, s15, $0xb8;
	[tilespmem:$0x8E30] =	vst v63  }
0x1b: {  	_ = 	snop  }
0x1c: {  	[tilespmem:s17], [sflag:$0x1] =	stream.indirect.gather [hbm4b:s2+s15], $0x1, s5, s15, $0xb8;
	[tilespmem:$0x8E30] =	vst v63  }
0x1d: {  	s21 =	simm.s32 $0x600  }
0x1e: {  	[tilespmem:s21], [sflag:$0x1] =	stream.indirect.gather [hbm4b:s3+s15], $0x1, s5, s15, $0xb8;
	[tilespmem:$0x8E30] =	vst v63  }
0x1f: {  	_ = 	snop  }
0x20: {  	[tilespmem:s19], [sflag:$0x1] =	stream.indirect.gather [hbm4b:s0+s15], $0x1, s15, s15, $0xb8;
	[tilespmem:$0x8E30] =	vst v63  }
0x21: {  	_ = 	snop  }
0x22: {  	[tilespmem:s20], [sflag:$0x1] =	stream.indirect.gather [hbm4b:s2+s15], $0x1, s15, s15, $0xb8;
	[tilespmem:$0x8E30] =	vst v63  }
0x23: {  	s10 =	simm.s32 $0x680  }
0x24: {  	[tilespmem:s10], [sflag:$0x1] =	stream.indirect.gather [hbm4b:s3+s15], $0x1, s15, s15, $0xb8;
	[tilespmem:$0x8E30] =	vst v63  }
0x25: {  	_ = 	snop  }
0x26: {  	[tilespmem:s23], [sflag:$0x1] =	stream.indirect.gather [hbm4b:s0+s15], $0x1, s22, s15, $0xb8;
	[tilespmem:$0x8E30] =	vst v63  }
0x27: {  	_ = 	snop  }
0x28: {  	[tilespmem:s24], [sflag:$0x1] =	stream.indirect.gather [hbm4b:s2+s15], $0x1, s22, s15, $0xb8;
	[tilespmem:$0x8E30] =	vst v63  }
0x29: {  	s11 =	simm.s32 $0x700  }
0x2a: {  	[tilespmem:s11], [sflag:$0x1] =	stream.indirect.gather [hbm4b:s3+s15], $0x1, s22, s15, $0xb8;
	[tilespmem:$0x8E30] =	vst v63  }
0x2b: {  	_ = 	snop  }
0x2c: {  	[tilespmem:s28], [sflag:$0x1] =	stream.indirect.gather [hbm4b:s0+s15], $0x1, s26, s15, $0xb8;
	[tilespmem:$0x8E30] =	vst v63  }
0x2d: {  	_ = 	snop  }
0x2e: {  	[tilespmem:s29], [sflag:$0x1] =	stream.indirect.gather [hbm4b:s2+s15], $0x1, s26, s15, $0xb8;
	[tilespmem:$0x8E30] =	vst v63  }
0x2f: {  	s18 =	simm.s32 $0x780  }
0x30: {  	[tilespmem:s18], [sflag:$0x1] =	stream.indirect.gather [hbm4b:s3+s15], $0x1, s26, s15, $0xb8;
	[tilespmem:$0x8E30] =	vst v63  }
0x31: {  	_ =	swait.ge [sflag:s31], $0x80  }
0x32: {  	[sflag:s31] =	ssyncset.done $0x0  }
0x33: {  	[sflag:s31] =	ssyncadd.s32 $0xFFFFFF80  }
0x34: {  	_ =	swait.ge [sflag:s31], $0x80  }
0x35: {  	[sflag:s31] =	ssyncset.done $0x0  }
0x36: {  	[sflag:s31] =	ssyncadd.s32 $0xFFFFFF80  }
0x37: {  	_ =	swait.ge [sflag:s31], $0x80  }
0x38: {  	[sflag:s31] =	ssyncset.done $0x0  }
0x39: {  	[sflag:s31] =	ssyncadd.s32 $0xFFFFFF80  }
0x3a: {  	_ =	swait.ge [sflag:s31], $0x80  }
0x3b: {  	[sflag:s31] =	ssyncset.done $0x0  }
0x3c: {  	[sflag:s31] =	ssyncadd.s32 $0xFFFFFF80  }
0x3d: {  	_ =	swait.ge [sflag:s31], $0x80  }
0x3e: {  	[sflag:s31] =	ssyncset.done $0x0  }
0x3f: {  	[sflag:s31] =	ssyncadd.s32 $0xFFFFFF80  }
0x40: {  	_ =	swait.ge [sflag:s31], $0x80  }
0x41: {  	[sflag:s31] =	ssyncset.done $0x0  }
0x42: {  	[sflag:s31] =	ssyncadd.s32 $0xFFFFFF80  }
0x43: {  	_ =	swait.ge [sflag:s31], $0x80  }
0x44: {  	[sflag:s31] =	ssyncset.done $0x0  }
0x45: {  	[sflag:s31] =	ssyncadd.s32 $0xFFFFFF80  }
0x46: {  	_ =	swait.ge [sflag:s31], $0x80  }
0x47: {  	[sflag:s31] =	ssyncset.done $0x0  }
0x48: {  	[sflag:s31] =	ssyncadd.s32 $0xFFFFFF80  }
0x49: {  	_ =	swait.ge [sflag:s31], $0x80  }
0x4a: {  	[sflag:s31] =	ssyncset.done $0x0  }
0x4b: {  	[sflag:s31] =	ssyncadd.s32 $0xFFFFFF80  }
0x4c: {  	_ =	swait.ge [sflag:s31], $0x80  }
0x4d: {  	[sflag:s31] =	ssyncset.done $0x0  }
0x4e: {  	[sflag:s31] =	ssyncadd.s32 $0xFFFFFF80  }
0x4f: {  	_ =	swait.ge [sflag:s31], $0x80  }
0x50: {  	[sflag:s31] =	ssyncset.done $0x0  }
0x51: {  	[sflag:s31] =	ssyncadd.s32 $0xFFFFFF80  }
0x52: {  	_ =	swait.ge [sflag:s31], $0x80  }
0x53: {  	[sflag:s31] =	ssyncset.done $0x0  }
0x54: {  	s21 =	simm.s32 $0x800;
	[sflag:s31] =	ssyncadd.s32 $0xFFFFFF80  }
0x55: {  	[tilespmem:s21], [sflag:$0x1] =	stream.indirect.gather [hbm4b:s6+s15], $0x20, s16, s15, $0xb8;
	[tilespmem:$0x8E30] =	vst v63  }
0x56: {  	s10 =	simm.s32 $0x4800  }
0x57: {  	[tilespmem:s10], [sflag:$0x1] =	stream.indirect.gather [hbm4b:s7+s15], $0x20, s17, s15, $0xb8;
	[tilespmem:$0x8E30] =	vst v63  }
0x58: {  	s11 =	simm.s32 $0x8800  }
0x59: {  	[tilespmem:s11], [sflag:$0x1] =	stream.indirect.gather [hbm4b:s8+s15], $0x1, s16, s15, $0xb8;
	[tilespmem:$0x8E30] =	vst v63  }
0x5a: {  	s18 =	simm.s32 $0x8A00  }
0x5b: {  	[tilespmem:s18], [sflag:$0x1] =	stream.indirect.gather [hbm4b:s9+s15], $0x1, s17, s15, $0xb8;
	[tilespmem:$0x8E30] =	vst v63  }
0x5c: {  	s21 =	simm.s32 $0x1800  }
0x5d: {  	[tilespmem:s21], [sflag:$0x1] =	stream.indirect.gather [hbm4b:s6+s15], $0x20, s19, s15, $0xb8;
	[tilespmem:$0x8E30] =	vst v63  }
0x5e: {  	s10 =	simm.s32 $0x5800  }
0x5f: {  	[tilespmem:s10], [sflag:$0x1] =	stream.indirect.gather [hbm4b:s7+s15], $0x20, s20, s15, $0xb8;
	[tilespmem:$0x8E30] =	vst v63  }
0x60: {  	s11 =	simm.s32 $0x8880  }
0x61: {  	[tilespmem:s11], [sflag:$0x1] =	stream.indirect.gather [hbm4b:s8+s15], $0x1, s19, s15, $0xb8;
	[tilespmem:$0x8E30] =	vst v63  }
0x62: {  	s18 =	simm.s32 $0x8A80  }
0x63: {  	[tilespmem:s18], [sflag:$0x1] =	stream.indirect.gather [hbm4b:s9+s15], $0x1, s20, s15, $0xb8;
	[tilespmem:$0x8E30] =	vst v63  }
0x64: {  	s21 =	simm.s32 $0x2800  }
0x65: {  	[tilespmem:s21], [sflag:$0x1] =	stream.indirect.gather [hbm4b:s6+s15], $0x20, s23, s15, $0xb8;
	[tilespmem:$0x8E30] =	vst v63  }
0x66: {  	s10 =	simm.s32 $0x6800  }
0x67: {  	[tilespmem:s10], [sflag:$0x1] =	stream.indirect.gather [hbm4b:s7+s15], $0x20, s24, s15, $0xb8;
	[tilespmem:$0x8E30] =	vst v63  }
0x68: {  	s11 =	simm.s32 $0x8900  }
0x69: {  	[tilespmem:s11], [sflag:$0x1] =	stream.indirect.gather [hbm4b:s8+s15], $0x1, s23, s15, $0xb8;
	[tilespmem:$0x8E30] =	vst v63  }
0x6a: {  	s18 =	simm.s32 $0x8B00  }
0x6b: {  	[tilespmem:s18], [sflag:$0x1] =	stream.indirect.gather [hbm4b:s9+s15], $0x1, s24, s15, $0xb8;
	[tilespmem:$0x8E30] =	vst v63  }
0x6c: {  	s21 =	simm.s32 $0x3800  }
0x6d: {  	[tilespmem:s21], [sflag:$0x1] =	stream.indirect.gather [hbm4b:s6+s15], $0x20, s28, s15, $0xb8;
	[tilespmem:$0x8E30] =	vst v63  }
0x6e: {  	s10 =	simm.s32 $0x7800  }
0x6f: {  	[tilespmem:s10], [sflag:$0x1] =	stream.indirect.gather [hbm4b:s7+s15], $0x20, s29, s15, $0xb8;
	[tilespmem:$0x8E30] =	vst v63  }
0x70: {  	s11 =	simm.s32 $0x8980  }
0x71: {  	[tilespmem:s11], [sflag:$0x1] =	stream.indirect.gather [hbm4b:s8+s15], $0x1, s28, s15, $0xb8;
	[tilespmem:$0x8E30] =	vst v63  }
0x72: {  	s18 =	simm.s32 $0x8B80  }
0x73: {  	[tilespmem:s18], [sflag:$0x1] =	stream.indirect.gather [hbm4b:s9+s15], $0x1, s29, s15, $0xb8;
	[tilespmem:$0x8E30] =	vst v63  }
0x74: {  	_ =	swait.ge [sflag:s31], $0x1000  }
0x75: {  	[sflag:s31] =	ssyncset.done $0x0  }
0x76: {  	[sflag:s31] =	ssyncadd.s32 $0xFFFFF000  }
0x77: {  	_ =	swait.ge [sflag:s31], $0x1000  }
0x78: {  	[sflag:s31] =	ssyncset.done $0x0  }
0x79: {  	[sflag:s31] =	ssyncadd.s32 $0xFFFFF000  }
0x7a: {  	_ =	swait.ge [sflag:s31], $0x80  }
0x7b: {  	[sflag:s31] =	ssyncset.done $0x0  }
0x7c: {  	[sflag:s31] =	ssyncadd.s32 $0xFFFFFF80  }
0x7d: {  	_ =	swait.ge [sflag:s31], $0x80  }
0x7e: {  	[sflag:s31] =	ssyncset.done $0x0  }
0x7f: {  	[sflag:s31] =	ssyncadd.s32 $0xFFFFFF80  }
0x80: {  	_ =	swait.ge [sflag:s31], $0x1000  }
0x81: {  	[sflag:s31] =	ssyncset.done $0x0  }
0x82: {  	[sflag:s31] =	ssyncadd.s32 $0xFFFFF000  }
0x83: {  	_ =	swait.ge [sflag:s31], $0x1000  }
0x84: {  	[sflag:s31] =	ssyncset.done $0x0  }
0x85: {  	[sflag:s31] =	ssyncadd.s32 $0xFFFFF000  }
0x86: {  	_ =	swait.ge [sflag:s31], $0x80  }
0x87: {  	[sflag:s31] =	ssyncset.done $0x0  }
0x88: {  	[sflag:s31] =	ssyncadd.s32 $0xFFFFFF80  }
0x89: {  	_ =	swait.ge [sflag:s31], $0x80  }
0x8a: {  	[sflag:s31] =	ssyncset.done $0x0  }
0x8b: {  	[sflag:s31] =	ssyncadd.s32 $0xFFFFFF80  }
0x8c: {  	_ =	swait.ge [sflag:s31], $0x1000  }
0x8d: {  	[sflag:s31] =	ssyncset.done $0x0  }
0x8e: {  	[sflag:s31] =	ssyncadd.s32 $0xFFFFF000  }
0x8f: {  	_ =	swait.ge [sflag:s31], $0x1000  }
0x90: {  	[sflag:s31] =	ssyncset.done $0x0  }
0x91: {  	[sflag:s31] =	ssyncadd.s32 $0xFFFFF000  }
0x92: {  	_ =	swait.ge [sflag:s31], $0x80  }
0x93: {  	[sflag:s31] =	ssyncset.done $0x0  }
0x94: {  	[sflag:s31] =	ssyncadd.s32 $0xFFFFFF80  }
0x95: {  	_ =	swait.ge [sflag:s31], $0x80  }
0x96: {  	[sflag:s31] =	ssyncset.done $0x0  }
0x97: {  	[sflag:s31] =	ssyncadd.s32 $0xFFFFFF80  }
0x98: {  	_ =	swait.ge [sflag:s31], $0x1000  }
0x99: {  	[sflag:s31] =	ssyncset.done $0x0  }
0x9a: {  	[sflag:s31] =	ssyncadd.s32 $0xFFFFF000  }
0x9b: {  	_ =	swait.ge [sflag:s31], $0x1000  }
0x9c: {  	[sflag:s31] =	ssyncset.done $0x0  }
0x9d: {  	[sflag:s31] =	ssyncadd.s32 $0xFFFFF000  }
0x9e: {  	_ =	swait.ge [sflag:s31], $0x80  }
0x9f: {  	[sflag:s31] =	ssyncset.done $0x0  }
0xa0: {  	[sflag:s31] =	ssyncadd.s32 $0xFFFFFF80  }
0xa1: {  	_ =	swait.ge [sflag:s31], $0x80  }
0xa2: {  	[sflag:s31] =	ssyncset.done $0x0  }
0xa3: {  	s21 =	simm.s32 $0x900;
	[sflag:s31] =	ssyncadd.s32 $0xFFFFFF80  }
0xa4: {  	s10 =	simm.s32 $0x4900;
	v17 =	vld [tilespmem:s21+$0xFFFFFF00]  }
0xa5: {  	v18 =	vld [tilespmem:s10+$0xFFFFFF10]  }
0xa6: {  	v19 =	vld [tilespmem:s21+$0xFFFFFF10]  }
0xa7: {  	v20 =	vld [tilespmem:s10+$0xFFFFFF00];
	_ =	sdelay $0x4  }
0xa8: {  	v17 =	vmul.f32 v20, v17;
	v18 =	vmul.f32 v18, v19;
	_ =	sdelay $0x1  }
0xa9: {  	v17 =	vadd.f32 v18, v17;
	_ =	sdelay $0x1  }
0xaa: {  	[tilespmem:$0x8C00] =	vst v17  }
0xab: {  	v17 =	vld [tilespmem:s10+$0xFFFFFF30]  }
0xac: {  	v18 =	vld [tilespmem:s21+$0xFFFFFF20]  }
0xad: {  	v19 =	vld [tilespmem:s21+$0xFFFFFF30]  }
0xae: {  	v20 =	vld [tilespmem:s10+$0xFFFFFF20];
	_ =	sdelay $0x4  }
0xaf: {  	v17 =	vmul.f32 v17, v19;
	v18 =	vmul.f32 v20, v18;
	_ =	sdelay $0x1  }
0xb0: {  	v17 =	vadd.f32 v17, v18;
	_ =	sdelay $0x1  }
0xb1: {  	[tilespmem:$0x8C10] =	vst v17  }
0xb2: {  	v17 =	vld [tilespmem:s21+$0xFFFFFF40]  }
0xb3: {  	v18 =	vld [tilespmem:s10+$0xFFFFFF40]  }
0xb4: {  	v19 =	vld [tilespmem:s21+$0xFFFFFF50]  }
0xb5: {  	v20 =	vld [tilespmem:s10+$0xFFFFFF50];
	_ =	sdelay $0x4  }
0xb6: {  	v17 =	vmul.f32 v18, v17;
	v18 =	vmul.f32 v20, v19;
	_ =	sdelay $0x1  }
0xb7: {  	v17 =	vadd.f32 v18, v17;
	_ =	sdelay $0x1  }
0xb8: {  	[tilespmem:$0x8C20] =	vst v17  }
0xb9: {  	v17 =	vld [tilespmem:s21+$0xFFFFFF70]  }
0xba: {  	v18 =	vld [tilespmem:s10+$0xFFFFFF60]  }
0xbb: {  	v19 =	vld [tilespmem:s21+$0xFFFFFF60]  }
0xbc: {  	v20 =	vld [tilespmem:s10+$0xFFFFFF70];
	_ =	sdelay $0x4  }
0xbd: {  	v18 =	vmul.f32 v18, v19;
	v17 =	vmul.f32 v20, v17;
	_ =	sdelay $0x1  }
0xbe: {  	v17 =	vadd.f32 v17, v18;
	_ =	sdelay $0x1  }
0xbf: {  	[tilespmem:$0x8C30] =	vst v17  }
0xc0: {  	v17 =	vld [tilespmem:s10+$0xFFFFFF90]  }
0xc1: {  	v18 =	vld [tilespmem:s10+$0xFFFFFF80]  }
0xc2: {  	v19 =	vld [tilespmem:s21+$0xFFFFFF80]  }
0xc3: {  	v20 =	vld [tilespmem:s21+$0xFFFFFF90];
	_ =	sdelay $0x4  }
0xc4: {  	v18 =	vmul.f32 v18, v19;
	v17 =	vmul.f32 v17, v20;
	_ =	sdelay $0x1  }
0xc5: {  	v17 =	vadd.f32 v17, v18;
	_ =	sdelay $0x1  }
0xc6: {  	[tilespmem:$0x8C40] =	vst v17  }
0xc7: {  	v17 =	vld [tilespmem:s10+$0xFFFFFFA0]  }
0xc8: {  	v18 =	vld [tilespmem:s10+$0xFFFFFFB0]  }
0xc9: {  	v19 =	vld [tilespmem:s21+$0xFFFFFFA0]  }
0xca: {  	v20 =	vld [tilespmem:s21+$0xFFFFFFB0];
	_ =	sdelay $0x4  }
0xcb: {  	v17 =	vmul.f32 v17, v19;
	v18 =	vmul.f32 v18, v20;
	_ =	sdelay $0x1  }
0xcc: {  	v17 =	vadd.f32 v18, v17;
	_ =	sdelay $0x1  }
0xcd: {  	[tilespmem:$0x8C50] =	vst v17  }
0xce: {  	v17 =	vld [tilespmem:s10+$0xFFFFFFC0]  }
0xcf: {  	v18 =	vld [tilespmem:s10+$0xFFFFFFD0]  }
0xd0: {  	v19 =	vld [tilespmem:s21+$0xFFFFFFC0]  }
0xd1: {  	v20 =	vld [tilespmem:s21+$0xFFFFFFD0];
	_ =	sdelay $0x4  }
0xd2: {  	v17 =	vmul.f32 v17, v19;
	v18 =	vmul.f32 v18, v20;
	_ =	sdelay $0x1  }
0xd3: {  	v17 =	vadd.f32 v18, v17;
	_ =	sdelay $0x1  }
0xd4: {  	[tilespmem:$0x8C60] =	vst v17  }
0xd5: {  	v17 =	vld [tilespmem:s10+$0xFFFFFFE0]  }
0xd6: {  	v18 =	vld [tilespmem:s10+$0xFFFFFFF0]  }
0xd7: {  	v19 =	vld [tilespmem:s21+$0xFFFFFFE0]  }
0xd8: {  	v20 =	vld [tilespmem:s21+$0xFFFFFFF0];
	_ =	sdelay $0x4  }
0xd9: {  	v17 =	vmul.f32 v17, v19;
	v18 =	vmul.f32 v18, v20;
	_ =	sdelay $0x1  }
0xda: {  	v17 =	vadd.f32 v18, v17;
	_ =	sdelay $0x1  }
0xdb: {  	[tilespmem:$0x8C70] =	vst v17  }
0xdc: {  	v17 =	vld [tilespmem:s10+$0x0]  }
0xdd: {  	v18 =	vld [tilespmem:s10+$0x10]  }
0xde: {  	v19 =	vld [tilespmem:s21+$0x0]  }
0xdf: {  	v20 =	vld [tilespmem:s21+$0x10];
	_ =	sdelay $0x4  }
0xe0: {  	v17 =	vmul.f32 v17, v19;
	v18 =	vmul.f32 v18, v20;
	_ =	sdelay $0x1  }
0xe1: {  	v17 =	vadd.f32 v18, v17;
	_ =	sdelay $0x1  }
0xe2: {  	[tilespmem:$0x8C80] =	vst v17  }
0xe3: {  	v17 =	vld [tilespmem:s10+$0x20]  }
0xe4: {  	v18 =	vld [tilespmem:s10+$0x30]  }
0xe5: {  	v19 =	vld [tilespmem:s21+$0x20]  }
0xe6: {  	v20 =	vld [tilespmem:s21+$0x30];
	_ =	sdelay $0x4  }
0xe7: {  	v17 =	vmul.f32 v17, v19;
	v18 =	vmul.f32 v18, v20;
	_ =	sdelay $0x1  }
0xe8: {  	v17 =	vadd.f32 v18, v17;
	_ =	sdelay $0x1  }
0xe9: {  	[tilespmem:$0x8C90] =	vst v17  }
0xea: {  	v17 =	vld [tilespmem:s10+$0x40]  }
0xeb: {  	v18 =	vld [tilespmem:s10+$0x50]  }
0xec: {  	v19 =	vld [tilespmem:s21+$0x40]  }
0xed: {  	v20 =	vld [tilespmem:s21+$0x50];
	_ =	sdelay $0x4  }
0xee: {  	v17 =	vmul.f32 v17, v19;
	v18 =	vmul.f32 v18, v20;
	_ =	sdelay $0x1  }
0xef: {  	v17 =	vadd.f32 v18, v17;
	_ =	sdelay $0x1  }
0xf0: {  	[tilespmem:$0x8CA0] =	vst v17  }
0xf1: {  	v17 =	vld [tilespmem:s10+$0x60]  }
0xf2: {  	v18 =	vld [tilespmem:s10+$0x70]  }
0xf3: {  	v19 =	vld [tilespmem:s21+$0x60]  }
0xf4: {  	v20 =	vld [tilespmem:s21+$0x70];
	_ =	sdelay $0x4  }
0xf5: {  	v17 =	vmul.f32 v17, v19;
	v18 =	vmul.f32 v18, v20;
	_ =	sdelay $0x1  }
0xf6: {  	v17 =	vadd.f32 v18, v17;
	_ =	sdelay $0x1  }
0xf7: {  	[tilespmem:$0x8CB0] =	vst v17  }
0xf8: {  	v17 =	vld [tilespmem:s10+$0x80]  }
0xf9: {  	v18 =	vld [tilespmem:s10+$0x90]  }
0xfa: {  	v19 =	vld [tilespmem:s21+$0x80]  }
0xfb: {  	v20 =	vld [tilespmem:s21+$0x90];
	_ =	sdelay $0x4  }
0xfc: {  	v17 =	vmul.f32 v17, v19;
	v18 =	vmul.f32 v18, v20;
	_ =	sdelay $0x1  }
0xfd: {  	v17 =	vadd.f32 v18, v17;
	_ =	sdelay $0x1  }
0xfe: {  	[tilespmem:$0x8CC0] =	vst v17  }
0xff: {  	v17 =	vld [tilespmem:s21+$0xA0]  }
0x100: {  	v18 =	vld [tilespmem:s10+$0xA0]  }
0x101: {  	v19 =	vld [tilespmem:s10+$0xB0]  }
0x102: {  	v20 =	vld [tilespmem:s21+$0xB0];
	_ =	sdelay $0x4  }
0x103: {  	v17 =	vmul.f32 v18, v17;
	v18 =	vmul.f32 v19, v20;
	_ =	sdelay $0x1  }
0x104: {  	v17 =	vadd.f32 v18, v17;
	_ =	sdelay $0x1  }
0x105: {  	[tilespmem:$0x8CD0] =	vst v17  }
0x106: {  	v17 =	vld [tilespmem:s21+$0xC0]  }
0x107: {  	v18 =	vld [tilespmem:s10+$0xC0]  }
0x108: {  	v19 =	vld [tilespmem:s21+$0xD0]  }
0x109: {  	v20 =	vld [tilespmem:s10+$0xD0];
	_ =	sdelay $0x4  }
0x10a: {  	v17 =	vmul.f32 v18, v17;
	v18 =	vmul.f32 v20, v19;
	_ =	sdelay $0x1  }
0x10b: {  	v17 =	vadd.f32 v18, v17;
	_ =	sdelay $0x1  }
0x10c: {  	[tilespmem:$0x8CE0] =	vst v17  }
0x10d: {  	v17 =	vld [tilespmem:s21+$0xE0]  }
0x10e: {  	v18 =	vld [tilespmem:s10+$0xF0]  }
0x10f: {  	v19 =	vld [tilespmem:s10+$0xE0]  }
0x110: {  	v20 =	vld [tilespmem:s21+$0xF0];
	_ =	sdelay $0x4  }
0x111: {  	v17 =	vmul.f32 v19, v17;
	v18 =	vmul.f32 v18, v20;
	_ =	sdelay $0x1  }
0x112: {  	v17 =	vadd.f32 v18, v17;
	_ =	sdelay $0x1  }
0x113: {  	[tilespmem:$0x8CF0] =	vst v17  }
0x114: {  	s11 =	simm.s32 $0x0;
	v18 =	vld.idx.msk [tilespmem:v0+s25+$0x0], $0xffff  }
0x115: {  	v20 =	vld [tilespmem:s11+$0x600]  }
0x116: {  	v19 =	vld.idx.msk [tilespmem:v1+s25+$0x0], $0xffff  }
0x117: {  	v23 =	vld.idx.msk [tilespmem:v2+s25+$0x0], $0xffff  }
0x118: {  	v24 =	vld.idx.msk [tilespmem:v3+s25+$0x0], $0xffff  }
0x119: {  	v25 =	vld.idx.msk [tilespmem:v4+s25+$0x0], $0xffff  }
0x11a: {  	v27 =	vld.idx.msk [tilespmem:v5+s25+$0x0], $0xffff;
	v26 =	vmul.f32 $9.999999770e-03, v20;
	v28 =	vand.u32 $0x7FFFFF, v20  }
0x11b: {  	v22 =	vld.idx.msk [tilespmem:v6+s25+$0x0], $0xffff;
	v28 =	vor.u32 $0x3F800000, v28  }
0x11c: {  	v21 =	vld.idx.msk [tilespmem:v7+s25+$0x0], $0xffff;
	v29 =	vadd.f32 v19, v18;
	v30 =	vmin.f32 v26, $1.000000000e+00;
	v31 =	vmul.f32 $5.000000000e-01, v28  }
0x11d: {  	v19 =	vld.idx.msk [tilespmem:v8+s25+$0x0], $0xffff;
	vm0 =	vge.f32 v28, $1.414213540e+00;
	v26 =	vand.u32 $0x7FFFFF, v30  }
0x11e: {  	s18 =	simm.s32 $0xB00;
	v18 =	vld.idx.msk [tilespmem:v9+s25+$0x0], $0xffff;
	v23 =	vadd.f32 v23, v29;
	v32 =	vor.u32 $0x3F800000, v26;
	v29 =	vsel vm0, v31, v28  }
0x11f: {  	v33 =	vshra.s32 v30, $0x17;
	v30 =	vld [tilespmem:s18+$0xFFFFFF10];
	v31 =	vmul.f32 $5.000000000e-01, v32;
	v35 =	vadd.f32 $1.000000000e+00, v29  }
0x120: {  	s21 =	simm.s32 $0x4B00;
	v26 =	vld [tilespmem:s18+$0xFFFFFF00];
	vm1 =	vge.f32 v32, $1.414213540e+00  }
0x121: {  	v28 =	vld [tilespmem:s21+$0xFFFFFF10];
	v23 =	vadd.f32 v24, v23;
	v34 =	vsel vm1, v31, v32;
	(erf) = vrcp.f32 v35  }
0x122: {  	v20 =	vshra.s32 v20, $0x17;
	v24 =	vsel vm0, $0x1, v16;
	v31 =	vld [tilespmem:s21+$0xFFFFFF00];
	v32 =	vadd.f32 $1.000000000e+00, v34  }
0x123: {  	v20 =	vadd.s32 v24, v20;
	v24 =	vld.idx.msk [tilespmem:v11+s25+$0x0], $0xffff;
	v36 =	vsel vm1, $0x1, v16;
	v23 =	vadd.f32 v25, v23  }
0x124: {  	v17 =	vimm.f32 $0.0e+00;
	v25 =	vld.idx.msk [tilespmem:v10+s25+$0x0], $0xffff;
	v33 =	vadd.s32 v36, v33;
	(erf) = vrcp.f32 v32  }
0x125: {  	s30 =	simm.s32 $0x80;
	s4 =	simm.s32 $0x40;
	v20 =	vadd.s32 $0xFFFFFF81, v20;
	v27 =	vadd.f32 v27, v23;
	v33 =	vadd.s32 $0xFFFFFF81, v33;
	v23 =	vld.idx.msk [tilespmem:v12+s25+$0x0], $0xffff  }
.LBB2_2:
0x126: {  	p1 =	sne.s32 s30, $0x7C0;
	v32 =	vld.idx.msk [tilespmem:v13+s25+$0x0], $0xffff;
	s10 =	smov.u32 s30;
	s30 =	sadd.s32 $0x40, s30  }
0x127: {  	v28 =	vmul.f32 v28, v30;
	v26 =	vmul.f32 v31, v26;
	v30 =	vld.idx.msk [tilespmem:v14+s25+$0x0], $0xffff  }
0x128: {  	v31 =	vld.idx.msk [tilespmem:v15+s25+$0x0], $0xffff  }
0x129: {  	v29 =	vadd.f32 $-1.000000000e+00, v29;
	v26 =	vadd.f32 v28, v26;
	v28 =	vld [tilespmem:s11+$0x8800]  }
0x12a: {  	v35 =	vld [tilespmem:s11+$0x8A00];
	v36 =	vpop (erf)  }
0x12b: {  	[tilespmem:$0x8C00] =	vst v26;
	v26 =	vmul.f32 v36, v29;
	v29 =	vadd.f32 $-1.000000000e+00, v34  }
0x12c: {  	v34 =	vld [tilespmem:s21+$0xFFFFFF30]  }
0x12d: {  	v36 =	vld [tilespmem:s18+$0xFFFFFF20];
	v37 =	vmul.f32 v26, v26;
	v38 =	vpop (erf)  }
0x12e: {  	v39 =	vld [tilespmem:s18+$0xFFFFFF30];
	v29 =	vmul.f32 v38, v29  }
0x12f: {  	v38 =	vld [tilespmem:s21+$0xFFFFFF20];
	v40 =	vmul.f32 $4.121985730e-01, v37  }
0x130: {  	v41 =	vmul.f32 v29, v29  }
0x131: {  	v40 =	vadd.f32 $5.770780440e-01, v40  }
0x132: {  	v42 =	vmul.f32 $4.121985730e-01, v41  }
0x133: {  	v34 =	vmul.f32 v34, v39;
	v39 =	vmul.f32 v40, v37  }
0x134: {  	v36 =	vmul.f32 v38, v36;
	v38 =	vadd.f32 $5.770780440e-01, v42  }
0x135: {  	v39 =	vadd.f32 $9.617967000e-01, v39  }
0x136: {  	v22 =	vadd.f32 v22, v27;
	v34 =	vadd.f32 v34, v36;
	v27 =	vmul.f32 v38, v41  }
0x137: {  	v36 =	vmul.f32 v39, v37  }
0x138: {  	v21 =	vadd.f32 v21, v22;
	[tilespmem:$0x8C10] =	vst v34;
	v22 =	vadd.f32 $9.617967000e-01, v27  }
0x139: {  	v27 =	vld [tilespmem:s18+$0xFFFFFF40];
	v34 =	vadd.f32 $2.885390040e+00, v36  }
0x13a: {  	v19 =	vadd.f32 v19, v21;
	v36 =	vld [tilespmem:s21+$0xFFFFFF40];
	v21 =	vmul.f32 v22, v41  }
0x13b: {  	v20 =	vcvt.s32.f32 v20;
	v22 =	vld [tilespmem:s18+$0xFFFFFF50];
	v26 =	vmul.f32 v34, v26  }
0x13c: {  	v18 =	vadd.f32 v18, v19;
	v34 =	vld [tilespmem:s21+$0xFFFFFF50];
	v19 =	vadd.f32 $2.885390040e+00, v21  }
0x13d: {  	v21 =	vcvt.s32.f32 v33;
	v20 =	vadd.f32 v20, v26  }
0x13e: {  	v18 =	vadd.f32 v25, v18;
	v19 =	vmul.f32 v19, v29  }
0x13f: {  	v25 =	vmul.f32 v36, v27;
	v20 =	vmul.f32 $-6.931471820e-01, v20  }
0x140: {  	v18 =	vadd.f32 v24, v18;
	v19 =	vadd.f32 v21, v19  }
0x141: {  	v21 =	vmul.f32 v34, v22  }
0x142: {  	v18 =	vadd.f32 v23, v18;
	v19 =	vmul.f32 $5.198603870e-01, v19  }
0x143: {  	v21 =	vadd.f32 v21, v25  }
0x144: {  	v18 =	vadd.f32 v32, v18;
	v19 =	vmul.f32 $1.442695020e+00, v19  }
0x145: {  	[tilespmem:$0x8C20] =	vst v21  }
0x146: {  	v18 =	vadd.f32 v30, v18;
	v21 =	vld [tilespmem:s18+$0xFFFFFF70];
	(erf) = vpow2.f32 v19  }
0x147: {  	v19 =	vld [tilespmem:s21+$0xFFFFFF60]  }
0x148: {  	v18 =	vadd.f32 v31, v18;
	v22 =	vld [tilespmem:s18+$0xFFFFFF60]  }
0x149: {  	v23 =	vld [tilespmem:s21+$0xFFFFFF70]  }
0x14a: {  	v18 =	vadd.f32 v28, v18;
	_ =	sdelay $0x1  }
0x14b: {  	v18 =	vadd.f32 v35, v18  }
0x14c: {  	v19 =	vmul.f32 v19, v22  }
0x14d: {  	v18 =	vadd.f32 v20, v18;
	v21 =	vmul.f32 v23, v21  }
0x14e: {  	v20 =	vpop (erf)  }
0x14f: {  	v19 =	vadd.f32 v21, v19;
	v20 =	vmul.f32 v20, v18;
	_ =	sdelay $0x1  }
0x150: {  	[tilespmem:$0x8C30] =	vst v19;
	v18 =	vmul.f32 v20, v18  }
0x151: {  	v19 =	vld [tilespmem:s21+$0xFFFFFF90]  }
0x152: {  	v20 =	vld [tilespmem:s21+$0xFFFFFF80];
	v17 =	vadd.f32 v18, v17  }
0x153: {  	v18 =	vld [tilespmem:s18+$0xFFFFFF80]  }
0x154: {  	v21 =	vld [tilespmem:s18+$0xFFFFFF90];
	_ =	sdelay $0x3  }
0x155: {  	v18 =	vmul.f32 v20, v18  }
0x156: {  	v19 =	vmul.f32 v19, v21;
	_ =	sdelay $0x1  }
0x157: {  	v18 =	vadd.f32 v19, v18;
	_ =	sdelay $0x1  }
0x158: {  	[tilespmem:$0x8C40] =	vst v18  }
0x159: {  	v18 =	vld [tilespmem:s21+$0xFFFFFFA0]  }
0x15a: {  	v19 =	vld [tilespmem:s21+$0xFFFFFFB0]  }
0x15b: {  	v20 =	vld [tilespmem:s18+$0xFFFFFFA0]  }
0x15c: {  	v21 =	vld [tilespmem:s18+$0xFFFFFFB0];
	_ =	sdelay $0x3  }
0x15d: {  	v18 =	vmul.f32 v18, v20  }
0x15e: {  	v19 =	vmul.f32 v19, v21;
	_ =	sdelay $0x1  }
0x15f: {  	v18 =	vadd.f32 v19, v18;
	_ =	sdelay $0x1  }
0x160: {  	[tilespmem:$0x8C50] =	vst v18  }
0x161: {  	v18 =	vld [tilespmem:s21+$0xFFFFFFC0]  }
0x162: {  	v19 =	vld [tilespmem:s21+$0xFFFFFFD0]  }
0x163: {  	v20 =	vld [tilespmem:s18+$0xFFFFFFC0]  }
0x164: {  	v21 =	vld [tilespmem:s18+$0xFFFFFFD0];
	_ =	sdelay $0x3  }
0x165: {  	v18 =	vmul.f32 v18, v20  }
0x166: {  	v19 =	vmul.f32 v19, v21;
	_ =	sdelay $0x1  }
0x167: {  	v18 =	vadd.f32 v19, v18;
	_ =	sdelay $0x1  }
0x168: {  	[tilespmem:$0x8C60] =	vst v18  }
0x169: {  	v18 =	vld [tilespmem:s21+$0xFFFFFFE0]  }
0x16a: {  	v19 =	vld [tilespmem:s21+$0xFFFFFFF0]  }
0x16b: {  	v20 =	vld [tilespmem:s18+$0xFFFFFFE0]  }
0x16c: {  	v21 =	vld [tilespmem:s18+$0xFFFFFFF0];
	_ =	sdelay $0x3  }
0x16d: {  	v18 =	vmul.f32 v18, v20  }
0x16e: {  	v19 =	vmul.f32 v19, v21;
	_ =	sdelay $0x1  }
0x16f: {  	v18 =	vadd.f32 v19, v18;
	_ =	sdelay $0x1  }
0x170: {  	[tilespmem:$0x8C70] =	vst v18  }
0x171: {  	v18 =	vld [tilespmem:s21+$0x0]  }
0x172: {  	v19 =	vld [tilespmem:s21+$0x10]  }
0x173: {  	v20 =	vld [tilespmem:s18+$0x0]  }
0x174: {  	v21 =	vld [tilespmem:s18+$0x10];
	_ =	sdelay $0x3  }
0x175: {  	v18 =	vmul.f32 v18, v20  }
0x176: {  	v19 =	vmul.f32 v19, v21;
	_ =	sdelay $0x1  }
0x177: {  	v18 =	vadd.f32 v19, v18;
	_ =	sdelay $0x1  }
0x178: {  	[tilespmem:$0x8C80] =	vst v18  }
0x179: {  	v18 =	vld [tilespmem:s21+$0x20]  }
0x17a: {  	v19 =	vld [tilespmem:s21+$0x30]  }
0x17b: {  	v20 =	vld [tilespmem:s18+$0x20]  }
0x17c: {  	v21 =	vld [tilespmem:s18+$0x30];
	_ =	sdelay $0x3  }
0x17d: {  	v18 =	vmul.f32 v18, v20  }
0x17e: {  	v19 =	vmul.f32 v19, v21;
	_ =	sdelay $0x1  }
0x17f: {  	v18 =	vadd.f32 v19, v18;
	_ =	sdelay $0x1  }
0x180: {  	[tilespmem:$0x8C90] =	vst v18  }
0x181: {  	v18 =	vld [tilespmem:s21+$0x40]  }
0x182: {  	v19 =	vld [tilespmem:s21+$0x50]  }
0x183: {  	v20 =	vld [tilespmem:s18+$0x40]  }
0x184: {  	v21 =	vld [tilespmem:s18+$0x50];
	_ =	sdelay $0x3  }
0x185: {  	v18 =	vmul.f32 v18, v20  }
0x186: {  	v19 =	vmul.f32 v19, v21;
	_ =	sdelay $0x1  }
0x187: {  	v18 =	vadd.f32 v19, v18;
	_ =	sdelay $0x1  }
0x188: {  	[tilespmem:$0x8CA0] =	vst v18  }
0x189: {  	v18 =	vld [tilespmem:s21+$0x60]  }
0x18a: {  	v19 =	vld [tilespmem:s21+$0x70]  }
0x18b: {  	v20 =	vld [tilespmem:s18+$0x60]  }
0x18c: {  	v21 =	vld [tilespmem:s18+$0x70];
	_ =	sdelay $0x3  }
0x18d: {  	v18 =	vmul.f32 v18, v20  }
0x18e: {  	v19 =	vmul.f32 v19, v21;
	_ =	sdelay $0x1  }
0x18f: {  	v18 =	vadd.f32 v19, v18;
	_ =	sdelay $0x1  }
0x190: {  	[tilespmem:$0x8CB0] =	vst v18  }
0x191: {  	v18 =	vld [tilespmem:s21+$0x80]  }
0x192: {  	v19 =	vld [tilespmem:s21+$0x90]  }
0x193: {  	v20 =	vld [tilespmem:s18+$0x80]  }
0x194: {  	v21 =	vld [tilespmem:s18+$0x90];
	_ =	sdelay $0x3  }
0x195: {  	v18 =	vmul.f32 v18, v20  }
0x196: {  	v19 =	vmul.f32 v19, v21;
	_ =	sdelay $0x1  }
0x197: {  	v18 =	vadd.f32 v19, v18;
	_ =	sdelay $0x1  }
0x198: {  	[tilespmem:$0x8CC0] =	vst v18  }
0x199: {  	v18 =	vld [tilespmem:s18+$0xA0]  }
0x19a: {  	v19 =	vld [tilespmem:s21+$0xA0]  }
0x19b: {  	v20 =	vld [tilespmem:s21+$0xB0]  }
0x19c: {  	v21 =	vld [tilespmem:s18+$0xB0];
	_ =	sdelay $0x2  }
0x19d: {  	v18 =	vmul.f32 v19, v18;
	_ =	sdelay $0x1  }
0x19e: {  	v19 =	vmul.f32 v20, v21;
	_ =	sdelay $0x1  }
0x19f: {  	v18 =	vadd.f32 v19, v18;
	_ =	sdelay $0x1  }
0x1a0: {  	[tilespmem:$0x8CD0] =	vst v18  }
0x1a1: {  	v18 =	vld [tilespmem:s18+$0xC0]  }
0x1a2: {  	v19 =	vld [tilespmem:s21+$0xC0]  }
0x1a3: {  	v20 =	vld [tilespmem:s18+$0xD0]  }
0x1a4: {  	v21 =	vld [tilespmem:s21+$0xD0];
	_ =	sdelay $0x2  }
0x1a5: {  	v18 =	vmul.f32 v19, v18;
	_ =	sdelay $0x1  }
0x1a6: {  	v19 =	vmul.f32 v21, v20;
	_ =	sdelay $0x1  }
0x1a7: {  	v18 =	vadd.f32 v19, v18;
	_ =	sdelay $0x1  }
0x1a8: {  	[tilespmem:$0x8CE0] =	vst v18  }
0x1a9: {  	v18 =	vld [tilespmem:s18+$0xE0]  }
0x1aa: {  	v19 =	vld [tilespmem:s21+$0xF0]  }
0x1ab: {  	v20 =	vld [tilespmem:s21+$0xE0]  }
0x1ac: {  	v21 =	vld [tilespmem:s18+$0xF0];
	_ =	sdelay $0x3  }
0x1ad: {  	v18 =	vmul.f32 v20, v18  }
0x1ae: {  	v19 =	vmul.f32 v19, v21;
	_ =	sdelay $0x1  }
0x1af: {  	v18 =	vadd.f32 v19, v18;
	_ =	sdelay $0x1  }
0x1b0: {  	[tilespmem:$0x8CF0] =	vst v18  }
0x1b1: {  	s11 =	sshra.s32 s4, $0x2;
	s4 =	smov.u32 s10;
	v18 =	vld.idx.msk [tilespmem:v0+s25+$0x0], $0xffff  }
0x1b2: {  	v19 =	vld [tilespmem:s11+$0x600]  }
0x1b3: {  	v20 =	vld.idx.msk [tilespmem:v1+s25+$0x0], $0xffff  }
0x1b4: {  	v23 =	vld.idx.msk [tilespmem:v2+s25+$0x0], $0xffff  }
0x1b5: {  	v24 =	vld.idx.msk [tilespmem:v3+s25+$0x0], $0xffff  }
0x1b6: {  	v25 =	vld.idx.msk [tilespmem:v4+s25+$0x0], $0xffff  }
0x1b7: {  	v27 =	vld.idx.msk [tilespmem:v5+s25+$0x0], $0xffff;
	v21 =	vand.u32 $0x7FFFFF, v19;
	v26 =	vmul.f32 $9.999999770e-03, v19  }
0x1b8: {  	v31 =	vshra.s32 v19, $0x17;
	v22 =	vld.idx.msk [tilespmem:v6+s25+$0x0], $0xffff;
	v28 =	vor.u32 $0x3F800000, v21  }
0x1b9: {  	v18 =	vadd.f32 v20, v18;
	v21 =	vld.idx.msk [tilespmem:v7+s25+$0x0], $0xffff;
	v20 =	vmul.f32 $5.000000000e-01, v28;
	v26 =	vmin.f32 v26, $1.000000000e+00  }
0x1ba: {  	vm0 =	vge.f32 v28, $1.414213540e+00;
	v19 =	vld.idx.msk [tilespmem:v8+s25+$0x0], $0xffff;
	v32 =	vshra.s32 v26, $0x17;
	v26 =	vand.u32 $0x7FFFFF, v26  }
0x1bb: {  	s18 =	sadd.s32 $0x200, s18;
	v23 =	vadd.f32 v23, v18;
	v18 =	vld.idx.msk [tilespmem:v9+s25+$0x0], $0xffff;
	v29 =	vsel vm0, v20, v28;
	v20 =	vor.u32 $0x3F800000, v26  }
0x1bc: {  	s21 =	sadd.s32 $0x200, s21;
	v26 =	vld [tilespmem:s18+$0xFFFFFF00];
	v33 =	vadd.f32 $1.000000000e+00, v29;
	vm1 =	vge.f32 v20, $1.414213540e+00;
	v34 =	vmul.f32 $5.000000000e-01, v20  }
0x1bd: {  	v23 =	vadd.f32 v24, v23;
	v24 =	vsel vm0, $0x1, v16;
	v28 =	vld [tilespmem:s21+$0xFFFFFF10];
	v35 =	vsel vm1, $0x1, v16  }
.Ltmp0:
0x1be: {  	v24 =	vadd.s32 v24, v31;
	v30 =	vld [tilespmem:s18+$0xFFFFFF10];
	v34 =	vsel vm1, v34, v20;
	(erf) = vrcp.f32 v33;
	(pc) =	sbr.rel @p1 .LBB2_2-.Ltmp0, $4  }
0x1bf: {  	v23 =	vadd.f32 v25, v23;
	v20 =	vadd.s32 $0xFFFFFF81, v24;
	v31 =	vld [tilespmem:s21+$0xFFFFFF00];
	v36 =	vadd.f32 $1.000000000e+00, v34  }
0x1c0: {  	v32 =	vadd.s32 v35, v32;
	v25 =	vld.idx.msk [tilespmem:v10+s25+$0x0], $0xffff  }
0x1c1: {  	v33 =	vadd.s32 $0xFFFFFF81, v32;
	v27 =	vadd.f32 v27, v23;
	v24 =	vld.idx.msk [tilespmem:v11+s25+$0x0], $0xffff;
	(erf) = vrcp.f32 v36  }
0x1c2: {  	v23 =	vld.idx.msk [tilespmem:v12+s25+$0x0], $0xffff  }
0x1c3: {  	_ =	sdelay $0x3  }
0x1c4: {  	v32 =	vld.idx.msk [tilespmem:v13+s25+$0x0], $0xffff;
	v28 =	vmul.f32 v28, v30;
	v26 =	vmul.f32 v31, v26  }
0x1c5: {  	v30 =	vld.idx.msk [tilespmem:v15+s25+$0x0], $0xffff  }
0x1c6: {  	v31 =	vld.idx.msk [tilespmem:v14+s25+$0x0], $0xffff;
	v35 =	vadd.f32 v28, v26  }
0x1c7: {  	v28 =	vld [tilespmem:s11+$0x8800]  }
0x1c8: {  	v26 =	vld [tilespmem:s11+$0x8A00];
	[tilespmem:$0x8C00] =	vst v35  }
0x1c9: {  	v35 =	vld [tilespmem:s21+$0xFFFFFF30]  }
0x1ca: {  	v36 =	vld [tilespmem:s18+$0xFFFFFF20]  }
0x1cb: {  	v37 =	vld [tilespmem:s18+$0xFFFFFF30]  }
0x1cc: {  	v38 =	vld [tilespmem:s21+$0xFFFFFF20];
	_ =	sdelay $0x4  }
0x1cd: {  	v35 =	vmul.f32 v35, v37;
	v36 =	vmul.f32 v38, v36;
	_ =	sdelay $0x1  }
0x1ce: {  	v35 =	vadd.f32 v35, v36;
	_ =	sdelay $0x1  }
0x1cf: {  	[tilespmem:$0x8C10] =	vst v35  }
0x1d0: {  	v35 =	vld [tilespmem:s18+$0xFFFFFF40]  }
0x1d1: {  	v58 =	vld [tilespmem:s21+$0xFFFFFF40]  }
0x1d2: {  	v59 =	vld [tilespmem:s18+$0xFFFFFF50]  }
0x1d3: {  	v60 =	vld [tilespmem:s21+$0xFFFFFF50];
	_ =	sdelay $0x4  }
0x1d4: {  	v35 =	vmul.f32 v58, v35;
	v61 =	vmul.f32 v60, v59;
	_ =	sdelay $0x1  }
0x1d5: {  	v35 =	vadd.f32 v61, v35;
	_ =	sdelay $0x1  }
0x1d6: {  	[tilespmem:$0x8C20] =	vst v35  }
0x1d7: {  	v35 =	vld [tilespmem:s18+$0xFFFFFF70]  }
0x1d8: {  	v62 =	vld [tilespmem:s21+$0xFFFFFF60]  }
0x1d9: {  	v63 =	vld [tilespmem:s18+$0xFFFFFF60]  }
0x1da: {  	v40 =	vld [tilespmem:s21+$0xFFFFFF70];
	_ =	sdelay $0x4  }
0x1db: {  	v36 =	vmul.f32 v62, v63;
	v35 =	vmul.f32 v40, v35;
	_ =	sdelay $0x1  }
0x1dc: {  	v35 =	vadd.f32 v35, v36;
	_ =	sdelay $0x1  }
0x1dd: {  	[tilespmem:$0x8C30] =	vst v35  }
0x1de: {  	v35 =	vld [tilespmem:s21+$0xFFFFFF90]  }
0x1df: {  	v41 =	vld [tilespmem:s21+$0xFFFFFF80]  }
0x1e0: {  	v42 =	vld [tilespmem:s18+$0xFFFFFF80]  }
0x1e1: {  	v43 =	vld [tilespmem:s18+$0xFFFFFF90];
	_ =	sdelay $0x4  }
0x1e2: {  	v36 =	vmul.f32 v41, v42;
	v35 =	vmul.f32 v35, v43;
	_ =	sdelay $0x1  }
0x1e3: {  	v35 =	vadd.f32 v35, v36;
	_ =	sdelay $0x1  }
0x1e4: {  	[tilespmem:$0x8C40] =	vst v35  }
0x1e5: {  	v35 =	vld [tilespmem:s21+$0xFFFFFFA0]  }
0x1e6: {  	v44 =	vld [tilespmem:s21+$0xFFFFFFB0]  }
0x1e7: {  	v45 =	vld [tilespmem:s18+$0xFFFFFFA0]  }
0x1e8: {  	v46 =	vld [tilespmem:s18+$0xFFFFFFB0];
	_ =	sdelay $0x4  }
0x1e9: {  	v35 =	vmul.f32 v35, v45;
	v36 =	vmul.f32 v44, v46;
	_ =	sdelay $0x1  }
0x1ea: {  	v35 =	vadd.f32 v36, v35;
	_ =	sdelay $0x1  }
0x1eb: {  	[tilespmem:$0x8C50] =	vst v35  }
0x1ec: {  	v35 =	vld [tilespmem:s21+$0xFFFFFFC0]  }
0x1ed: {  	v47 =	vld [tilespmem:s21+$0xFFFFFFD0]  }
0x1ee: {  	v48 =	vld [tilespmem:s18+$0xFFFFFFC0]  }
0x1ef: {  	v49 =	vld [tilespmem:s18+$0xFFFFFFD0];
	_ =	sdelay $0x4  }
0x1f0: {  	v35 =	vmul.f32 v35, v48;
	v36 =	vmul.f32 v47, v49;
	_ =	sdelay $0x1  }
0x1f1: {  	v35 =	vadd.f32 v36, v35;
	_ =	sdelay $0x1  }
0x1f2: {  	[tilespmem:$0x8C60] =	vst v35  }
0x1f3: {  	v35 =	vld [tilespmem:s21+$0xFFFFFFE0]  }
0x1f4: {  	v50 =	vld [tilespmem:s21+$0xFFFFFFF0]  }
0x1f5: {  	v51 =	vld [tilespmem:s18+$0xFFFFFFE0]  }
0x1f6: {  	v52 =	vld [tilespmem:s18+$0xFFFFFFF0];
	_ =	sdelay $0x4  }
0x1f7: {  	v35 =	vmul.f32 v35, v51;
	v36 =	vmul.f32 v50, v52;
	_ =	sdelay $0x1  }
0x1f8: {  	v35 =	vadd.f32 v36, v35;
	_ =	sdelay $0x1  }
0x1f9: {  	[tilespmem:$0x8C70] =	vst v35  }
0x1fa: {  	v35 =	vld [tilespmem:s21+$0x0]  }
0x1fb: {  	v53 =	vld [tilespmem:s21+$0x10]  }
0x1fc: {  	v54 =	vld [tilespmem:s18+$0x0]  }
0x1fd: {  	v55 =	vld [tilespmem:s18+$0x10];
	_ =	sdelay $0x4  }
0x1fe: {  	v35 =	vmul.f32 v35, v54;
	v36 =	vmul.f32 v53, v55;
	_ =	sdelay $0x1  }
0x1ff: {  	v35 =	vadd.f32 v36, v35;
	_ =	sdelay $0x1  }
0x200: {  	[tilespmem:$0x8C80] =	vst v35  }
0x201: {  	v35 =	vld [tilespmem:s21+$0x20]  }
0x202: {  	v56 =	vld [tilespmem:s21+$0x30]  }
0x203: {  	v57 =	vld [tilespmem:s18+$0x20]  }
0x204: {  	v58 =	vld [tilespmem:s18+$0x30];
	_ =	sdelay $0x4  }
0x205: {  	v35 =	vmul.f32 v35, v57;
	v36 =	vmul.f32 v56, v58;
	_ =	sdelay $0x1  }
0x206: {  	v35 =	vadd.f32 v36, v35;
	_ =	sdelay $0x1  }
0x207: {  	[tilespmem:$0x8C90] =	vst v35  }
0x208: {  	v35 =	vld [tilespmem:s21+$0x40]  }
0x209: {  	v59 =	vld [tilespmem:s21+$0x50]  }
0x20a: {  	v60 =	vld [tilespmem:s18+$0x40]  }
0x20b: {  	v61 =	vld [tilespmem:s18+$0x50];
	_ =	sdelay $0x4  }
0x20c: {  	v35 =	vmul.f32 v35, v60;
	v36 =	vmul.f32 v59, v61;
	_ =	sdelay $0x1  }
0x20d: {  	v35 =	vadd.f32 v36, v35;
	_ =	sdelay $0x1  }
0x20e: {  	[tilespmem:$0x8CA0] =	vst v35  }
0x20f: {  	v35 =	vld [tilespmem:s21+$0x60]  }
0x210: {  	v62 =	vld [tilespmem:s21+$0x70]  }
0x211: {  	v63 =	vld [tilespmem:s18+$0x60]  }
0x212: {  	v40 =	vld [tilespmem:s18+$0x70];
	_ =	sdelay $0x4  }
0x213: {  	v35 =	vmul.f32 v35, v63;
	v36 =	vmul.f32 v62, v40;
	_ =	sdelay $0x1  }
0x214: {  	v35 =	vadd.f32 v36, v35;
	_ =	sdelay $0x1  }
0x215: {  	[tilespmem:$0x8CB0] =	vst v35  }
0x216: {  	v35 =	vld [tilespmem:s21+$0x80]  }
0x217: {  	v41 =	vld [tilespmem:s21+$0x90]  }
0x218: {  	v42 =	vld [tilespmem:s18+$0x80]  }
0x219: {  	v43 =	vld [tilespmem:s18+$0x90];
	_ =	sdelay $0x4  }
0x21a: {  	v35 =	vmul.f32 v35, v42;
	v36 =	vmul.f32 v41, v43;
	_ =	sdelay $0x1  }
0x21b: {  	v35 =	vadd.f32 v36, v35;
	_ =	sdelay $0x1  }
0x21c: {  	[tilespmem:$0x8CC0] =	vst v35  }
0x21d: {  	v35 =	vld [tilespmem:s18+$0xA0]  }
0x21e: {  	v44 =	vld [tilespmem:s21+$0xA0]  }
0x21f: {  	v45 =	vld [tilespmem:s21+$0xB0]  }
0x220: {  	v46 =	vld [tilespmem:s18+$0xB0];
	_ =	sdelay $0x4  }
0x221: {  	v35 =	vmul.f32 v44, v35;
	v47 =	vmul.f32 v45, v46;
	_ =	sdelay $0x1  }
0x222: {  	v35 =	vadd.f32 v47, v35;
	_ =	sdelay $0x1  }
0x223: {  	[tilespmem:$0x8CD0] =	vst v35  }
0x224: {  	v35 =	vld [tilespmem:s18+$0xC0]  }
0x225: {  	v48 =	vld [tilespmem:s21+$0xC0]  }
0x226: {  	v49 =	vld [tilespmem:s18+$0xD0]  }
0x227: {  	v50 =	vld [tilespmem:s21+$0xD0];
	_ =	sdelay $0x4  }
0x228: {  	v35 =	vmul.f32 v48, v35;
	v51 =	vmul.f32 v50, v49;
	_ =	sdelay $0x1  }
0x229: {  	v35 =	vadd.f32 v51, v35;
	_ =	sdelay $0x1  }
0x22a: {  	[tilespmem:$0x8CE0] =	vst v35  }
0x22b: {  	v34 =	vadd.f32 $-1.000000000e+00, v34;
	v52 =	vpop (erf);
	v53 =	vld [tilespmem:s18+$0xE0]  }
0x22c: {  	v54 =	vpop (erf);
	v55 =	vld [tilespmem:s21+$0xF0]  }
0x22d: {  	v34 =	vmul.f32 v54, v34;
	v56 =	vld [tilespmem:s21+$0xE0]  }
0x22e: {  	v39 =	vld [tilespmem:s18+$0xF0]  }
0x22f: {  	v40 =	vmul.f32 v34, v34;
	_ =	sdelay $0x1  }
0x230: {  	v41 =	vmul.f32 $4.121985730e-01, v40;
	_ =	sdelay $0x1  }
0x231: {  	v41 =	vadd.f32 $5.770780440e-01, v41;
	v36 =	vmul.f32 v56, v53;
	v57 =	vmul.f32 v55, v39;
	_ =	sdelay $0x1  }
0x232: {  	v58 =	vmul.f32 v41, v40;
	v36 =	vadd.f32 v57, v36;
	_ =	sdelay $0x1  }
0x233: {  	s4 =	sshra.s32 s4, $0x2;
	v59 =	vadd.f32 $9.617967000e-01, v58;
	[tilespmem:$0x8CF0] =	vst v36  }
0x234: {  	v36 =	vld [tilespmem:s4+$0x600]  }
0x235: {  	v37 =	vmul.f32 v59, v40;
	_ =	sdelay $0x1  }
0x236: {  	v37 =	vadd.f32 $2.885390040e+00, v37  }
0x237: {  	v33 =	vcvt.s32.f32 v33  }
0x238: {  	v34 =	vmul.f32 v37, v34;
	v60 =	vmul.f32 $9.999999770e-03, v36;
	_ =	sdelay $0x1  }
0x239: {  	v33 =	vadd.f32 v33, v34;
	v61 =	vand.u32 $0x7FFFFF, v36;
	v37 =	vmin.f32 v60, $1.000000000e+00  }
0x23a: {  	v34 =	vor.u32 $0x3F800000, v61;
	v62 =	vand.u32 $0x7FFFFF, v37  }
0x23b: {  	v33 =	vmul.f32 $5.198603870e-01, v33;
	v63 =	vmul.f32 $5.000000000e-01, v34;
	v38 =	vor.u32 $0x3F800000, v62  }
0x23c: {  	vm0 =	vge.f32 v34, $1.414213540e+00;
	v44 =	vmul.f32 $5.000000000e-01, v38  }
0x23d: {  	v33 =	vmul.f32 $1.442695020e+00, v33;
	v34 =	vsel vm0, v63, v34;
	vm1 =	vge.f32 v38, $1.414213540e+00  }
0x23e: {  	v39 =	vadd.f32 $1.000000000e+00, v34;
	v38 =	vsel vm1, v44, v38  }
0x23f: {  	(erf) = vpow2.f32 v33;
	v45 =	vadd.f32 $1.000000000e+00, v38  }
0x240: {  	(erf) = vrcp.f32 v39  }
0x241: {  	(erf) = vrcp.f32 v45  }
0x242: {  	v46 =	vld.idx.msk [tilespmem:v0+s25+$0x0], $0xffff  }
0x243: {  	v47 =	vld.idx.msk [tilespmem:v1+s25+$0x0], $0xffff;
	_ =	sdelay $0x1  }
0x244: {  	v48 =	vld.idx.msk [tilespmem:v2+s25+$0x0], $0xffff;
	_ =	sdelay $0x1  }
0x245: {  	v42 =	vld.idx.msk [tilespmem:v3+s25+$0x0], $0xffff  }
0x246: {  	v29 =	vadd.f32 $-1.000000000e+00, v29;
	v41 =	vpop (erf);
	v33 =	vadd.f32 v47, v46  }
0x247: {  	v22 =	vadd.f32 v22, v27;
	v50 =	vld.idx.msk [tilespmem:v4+s25+$0x0], $0xffff;
	v38 =	vadd.f32 $-1.000000000e+00, v38;
	v49 =	vpop (erf)  }
0x248: {  	v33 =	vadd.f32 v48, v33;
	v43 =	vpop (erf)  }
0x249: {  	v21 =	vadd.f32 v21, v22;
	v29 =	vmul.f32 v52, v29;
	v52 =	vld.idx.msk [tilespmem:v5+s25+$0x0], $0xffff;
	v38 =	vmul.f32 v43, v38  }
0x24a: {  	v33 =	vadd.f32 v42, v33  }
0x24b: {  	v19 =	vadd.f32 v19, v21;
	v54 =	vld.idx.msk [tilespmem:v6+s25+$0x0], $0xffff;
	v53 =	vmul.f32 v38, v38  }
0x24c: {  	v33 =	vadd.f32 v50, v33  }
0x24d: {  	v18 =	vadd.f32 v18, v19;
	v56 =	vld.idx.msk [tilespmem:v7+s25+$0x0], $0xffff;
	v55 =	vmul.f32 $4.121985730e-01, v53  }
0x24e: {  	v51 =	vmul.f32 v29, v29;
	v33 =	vadd.f32 v52, v33  }
0x24f: {  	v18 =	vadd.f32 v25, v18;
	v58 =	vld.idx.msk [tilespmem:v8+s25+$0x0], $0xffff;
	v35 =	vadd.f32 $5.770780440e-01, v55  }
0x250: {  	v44 =	vmul.f32 $4.121985730e-01, v51;
	v27 =	vadd.f32 v54, v33  }
0x251: {  	v18 =	vadd.f32 v24, v18;
	v60 =	vld.idx.msk [tilespmem:v9+s25+$0x0], $0xffff;
	v34 =	vadd.f32 $-1.000000000e+00, v34;
	v59 =	vmul.f32 v35, v53  }
0x252: {  	v44 =	vadd.f32 $5.770780440e-01, v44;
	v22 =	vadd.f32 v56, v27  }
0x253: {  	v18 =	vadd.f32 v23, v18;
	v62 =	vld.idx.msk [tilespmem:v10+s25+$0x0], $0xffff;
	v34 =	vmul.f32 v49, v34;
	v61 =	vadd.f32 $9.617967000e-01, v59  }
0x254: {  	v45 =	vsel vm1, $0x1, v16;
	v57 =	vmul.f32 v44, v51;
	v21 =	vadd.f32 v58, v22  }
0x255: {  	v46 =	vld.idx.msk [tilespmem:v11+s25+$0x0], $0xffff;
	v44 =	vshra.s32 v37, $0x17;
	v39 =	vmul.f32 v34, v34;
	v63 =	vmul.f32 v61, v53  }
0x256: {  	v25 =	vadd.s32 v45, v44;
	v19 =	vadd.f32 $9.617967000e-01, v57;
	v21 =	vadd.f32 v60, v21  }
0x257: {  	v48 =	vadd.s32 $0xFFFFFF81, v25;
	v49 =	vld.idx.msk [tilespmem:v12+s25+$0x0], $0xffff;
	v47 =	vmul.f32 $4.121985730e-01, v39;
	v22 =	vadd.f32 $2.885390040e+00, v63  }
0x258: {  	v18 =	vadd.f32 v32, v18;
	v24 =	vcvt.s32.f32 v48;
	v21 =	vadd.f32 v62, v21  }
0x259: {  	v19 =	vmul.f32 v19, v51;
	v51 =	vld.idx.msk [tilespmem:v13+s25+$0x0], $0xffff;
	v50 =	vadd.f32 $5.770780440e-01, v47;
	v22 =	vmul.f32 v22, v38  }
0x25a: {  	v21 =	vadd.f32 v46, v21  }
0x25b: {  	v18 =	vadd.f32 v31, v18;
	v52 =	vld.idx.msk [tilespmem:v14+s25+$0x0], $0xffff;
	v27 =	vmul.f32 v50, v39;
	v22 =	vadd.f32 v24, v22  }
0x25c: {  	v21 =	vadd.f32 v49, v21  }
0x25d: {  	v18 =	vadd.f32 v30, v18;
	v27 =	vadd.f32 $9.617967000e-01, v27;
	v22 =	vmul.f32 $5.198603870e-01, v22  }
0x25e: {  	v20 =	vcvt.s32.f32 v20;
	v19 =	vadd.f32 $2.885390040e+00, v19;
	v21 =	vadd.f32 v51, v21;
	v55 =	vld.idx.msk [tilespmem:v15+s25+$0x0], $0xffff  }
0x25f: {  	v54 =	vsel vm0, $0x1, v16;
	v27 =	vmul.f32 v27, v39;
	v22 =	vmul.f32 $1.442695020e+00, v22  }
0x260: {  	v57 =	vld [tilespmem:s4+$0x8800];
	v19 =	vmul.f32 v19, v29;
	v21 =	vadd.f32 v52, v21;
	v53 =	vshra.s32 v36, $0x17  }
0x261: {  	v27 =	vadd.f32 $2.885390040e+00, v27;
	v56 =	vadd.s32 v54, v53;
	(erf) = vpow2.f32 v22  }
0x262: {  	v18 =	vadd.f32 v28, v18;
	v19 =	vadd.f32 v20, v19;
	v59 =	vld [tilespmem:s4+$0x8A00];
	v58 =	vadd.s32 $0xFFFFFF81, v56  }
0x263: {  	v21 =	vadd.f32 v55, v21;
	v60 =	vmul.f32 v27, v34;
	v20 =	vcvt.s32.f32 v58  }
0x264: {  	v18 =	vadd.f32 v26, v18  }
0x265: {  	v19 =	vmul.f32 $-6.931471820e-01, v19;
	v21 =	vadd.f32 v57, v21;
	v20 =	vadd.f32 v20, v60;
	_ =	sdelay $0x1  }
0x266: {  	v18 =	vadd.f32 v19, v18;
	v61 =	vadd.f32 v59, v21;
	v19 =	vmul.f32 $-6.931471820e-01, v20;
	_ =	sdelay $0x1  }
0x267: {  	v62 =	vmul.f32 v41, v18;
	v19 =	vadd.f32 v19, v61  }
0x268: {  	v63 =	vpop (erf)  }
0x269: {  	v18 =	vmul.f32 v62, v18;
	v20 =	vmul.f32 v63, v19;
	_ =	sdelay $0x1  }
0x26a: {  	v17 =	vadd.f32 v18, v17;
	v18 =	vmul.f32 v20, v19;
	_ =	sdelay $0x1  }
0x26b: {  	v17 =	vadd.f32 v18, v17;
	_ =	sdelay $0x1  }
0x26c: {  	v17 =	vmul.f32 $5.000000000e-01, v17;
	_ =	sdelay $0x1  }
0x26d: {  	s30 =	rddreg [dreg:$0x9];
	s10 =	simm.s32 $0x8D00;
	[tilespmem:$0x8D00] =	vst v17  }
0x26e: {  	[spmem:s30] =	stream.linear.scatter [tilespmem:s10], [sflag:$0x2], $0x10, $0x38;
	[tilespmem:$0x8E30] =	vst v63  }
0x26f: {  	_ =	swait.ge [sflag:s14], $0x10  }
0x270: {  	[sflag:s14] =	ssyncset.done $0x0  }
0x271: {  	[sflag:s14] =	ssyncadd.s32 $0xFFFFFFF0  }
0x272: {  	[bflag:$0x0] =	sbarrier.arrive $0xFFFF  }
0x273: {  	s4 =	simm.s32 @!p0 $0x8D10;
	s10 =	rddreg [dreg:$0x6]  }
0x274: {  	[tilespmem:s4], [sflag:$0x2] =	stream.linear.gather @!p0 [spmem:s10], $0x100, $0x38;
	[tilespmem:$0x8E30] =	vst v63  }
0x275: {  	s4 =	simm.s32 @!p0 $0x2  }
0x276: {  	_ =	swait.ge @!p0 [sflag:s4], $0x100  }
0x277: {  	[sflag:s4] =	ssyncset.done @!p0 $0x0  }
0x278: {  	[sflag:s4] =	ssyncadd.s32 @!p0 $0xFFFFFF00  }
0x279: {  	v17 =	vld @!p0 [tilespmem:$0x8D10]  }
0x27a: {  	v18 =	vld @!p0 [tilespmem:$0x8D20];
	_ =	sdelay $0x1  }
0x27b: {  	v19 =	vld @!p0 [tilespmem:$0x8D30];
	_ =	sdelay $0x1  }
0x27c: {  	v20 =	vld @!p0 [tilespmem:$0x8D40]  }
0x27d: {  	v17 =	vadd.f32 @!p0 v18, v17  }
0x27e: {  	v18 =	vld @!p0 [tilespmem:$0x8D50]  }
0x27f: {  	v17 =	vadd.f32 @!p0 v19, v17  }
0x280: {  	v19 =	vld @!p0 [tilespmem:$0x8D60]  }
0x281: {  	v17 =	vadd.f32 @!p0 v20, v17  }
0x282: {  	v20 =	vld @!p0 [tilespmem:$0x8D70]  }
0x283: {  	v17 =	vadd.f32 @!p0 v18, v17  }
0x284: {  	v18 =	vld @!p0 [tilespmem:$0x8D80]  }
0x285: {  	v17 =	vadd.f32 @!p0 v19, v17  }
0x286: {  	v19 =	vld @!p0 [tilespmem:$0x8D90]  }
0x287: {  	v17 =	vadd.f32 @!p0 v20, v17  }
0x288: {  	v20 =	vld @!p0 [tilespmem:$0x8DA0]  }
0x289: {  	v17 =	vadd.f32 @!p0 v18, v17  }
0x28a: {  	v18 =	vld @!p0 [tilespmem:$0x8DB0]  }
0x28b: {  	v17 =	vadd.f32 @!p0 v19, v17  }
0x28c: {  	v19 =	vld @!p0 [tilespmem:$0x8DC0]  }
0x28d: {  	v17 =	vadd.f32 @!p0 v20, v17  }
0x28e: {  	v20 =	vld @!p0 [tilespmem:$0x8DD0]  }
0x28f: {  	v17 =	vadd.f32 @!p0 v18, v17  }
0x290: {  	v18 =	vld @!p0 [tilespmem:$0x8DE0]  }
0x291: {  	v17 =	vadd.f32 @!p0 v19, v17  }
0x292: {  	v19 =	vld @!p0 [tilespmem:$0x8DF0]  }
0x293: {  	v17 =	vadd.f32 @!p0 v20, v17  }
0x294: {  	v20 =	vld @!p0 [tilespmem:$0x8E00]  }
0x295: {  	v17 =	vadd.f32 @!p0 v18, v17;
	_ =	sdelay $0x1  }
0x296: {  	v17 =	vadd.f32 @!p0 v19, v17;
	_ =	sdelay $0x1  }
0x297: {  	v17 =	vadd.f32 @!p0 v20, v17;
	_ =	sdelay $0x1  }
0x298: {  	(xrf2) =	vadd.scan.msk.f32 @!p0 $0xffff, v17;
	_ =	sdelay $0x9  }
0x299: {  	v17, _, _ =	vpop @!p0 (xrf2)  }
0x29a: {  	s1 =	sadd.s32 $0x1, s1;
	v17 =	vbroadcast @!p0 v17, $0xF  }
0x29b: {  	p1 =	sne.s32 s1, s13  }
.Ltmp1:
0x29c: {  	s11 =	simm.s32 @!p0 $0x8E10;
	s10 =	simm.s32 @!p0 $0x0;
	[tilespmem:$0x8E10] =	vst @!p0 v17;
	(pc) =	sbr.rel @p1 .LBB2_1-.Ltmp1, $4  }
0x29d: {  	[hbm4b:s12+s10] =	stream.linear.scatter @!p0 [tilespmem:s11], [sflag:$0x2], $0x10, $0x38;
	[tilespmem:$0x8E30] =	vst v63  }
0x29e: {  	_ =	swait.ge @!p0 [sflag:s4], $0x10  }
0x29f: {  	[sflag:s4] =	ssyncset.done @!p0 $0x0  }
0x2a0: {  	[sflag:s4] =	ssyncadd.s32 @!p0 $0xFFFFFFF0  }
0x2a1: {  	_ =	sfence.sel $0x180000  }
0x2a2: {  	[bflag:$0x0] =	sbarrier.arrive $0xFFFF  }
0x2a3: {  	_ =	strace $0x90000047  }
0x2a4: {  	[bflag:$0x2] =	sbarrier.arrive $0xFFFF  }
0x2a5: {  	s0 =	rddreg [dreg:$0x7]  }
0x2a6: {  	s0 =	sadd.s32 @!p0 $0x100000, s0  }
0x2a7: {  	[sflag:s0] =	ssyncadd.tile.s32 @!p0 $0x1;
	_ =	shalt  }
.Lfunc_end2:
_tile_overlayer_lowered:
.L_overlay_start_2:
0x2a8: {  	(tag) =	ssettag $0x2  }
0x2a9: {  	s0 =	rddreg [dreg:$0x0];
	s2 =	stileid.u32  }
0x2aa: {  	s1 =	rddreg [dreg:$0x1];
	p0 =	sne.s32 s2, $0x0  }
0x2ab: {  	s3 =	rddreg [dreg:$0x2];
	[bflag:$0x3] =	sbarrier.arrive $0xFFFF;
	s2 =	simm.s32 @!p0 $0x1C02  }
0x2ac: {  	[timem:s3], [sflag:s2] =	dma.local @!p0 [hbm:s0], s1  }
0x2ad: {  	s0 =	simm.s32 @!p0 $0x2  }
0x2ae: {  	_ =	swait.ge @!p0 [sflag:s0], s1  }
0x2af: {  	s1 =	ssub.s32 @!p0 $0x0, s1;
	[sflag:s0] =	ssyncset.done @!p0 $0x0  }
0x2b0: {  	[sflag:s0] =	ssyncadd.s32 @!p0 s1  }
0x2b1: {  	[bflag:$0x3] =	sbarrier.arrive $0xFFFF  }
0x2b2: {  	_ =	shalt  }

</sc_bundles>
